<compile_context>
chip_gen: v7x
topology: tpu7x:2x2x1
jax: 0.10.2.dev20260603
libtpu: 0.0.44.dev20260713+nightly
codegen_flags: <defaults>
</compile_context>

<pallas_src>
import functools

import jax
import jax.numpy as jnp
from jax import lax
from jax.experimental import pallas as pl
from jax.experimental.pallas import tpu as pltpu
from jax.experimental.pallas import tpu_sc as plsc

_NU = 1000
_NI = 1000
_K = 32
_B = 16384
_NC = 2
_NS = 16
_NW = _NC * _NS
_BPW = _B // _NW
_CH = 128
_NCH = _BPW // _CH
_NG = _BPW // 16


def _sc_partials(sampleU, sampleI, sampleJ, samplePR, sampleR, alphav,
                 betaU, betaI, thetaU, gA, gB):
    mesh = plsc.VectorSubcoreMesh(
        core_axis_name="c", subcore_axis_name="s",
        num_cores=_NC, num_subcores=_NS)

    @functools.partial(
        pl.kernel,
        mesh=mesh,
        compiler_params=pltpu.CompilerParams(
            needs_layout_passes=False, use_tc_tiling_on_sc=False),
        out_type=jax.ShapeDtypeStruct((8, 128), jnp.float32),
        scratch_types=[
            pltpu.VMEM((_BPW,), jnp.int32),
            pltpu.VMEM((_BPW,), jnp.int32),
            pltpu.VMEM((_BPW,), jnp.int32),
            pltpu.VMEM((_BPW,), jnp.int32),
            pltpu.VMEM((_BPW,), jnp.int32),
            pltpu.VMEM((_BPW,), jnp.float32),
            pltpu.VMEM((_BPW,), jnp.float32),
            pltpu.VMEM((_BPW, _K), jnp.bfloat16),
            pltpu.VMEM((_BPW, 2 * _K), jnp.bfloat16),
            pltpu.VMEM((_BPW, _K), jnp.bfloat16),
            pltpu.VMEM((_BPW * 17,), jnp.float32),
            pltpu.VMEM((_NU,), jnp.float32),
            pltpu.VMEM((_NI,), jnp.float32),
            pltpu.VMEM((_NU,), jnp.float32),
            pltpu.VMEM((16,), jnp.float32),
            pltpu.VMEM((16,), jnp.float32),
            [pltpu.SemaphoreType.DMA] * _NCH,
            pltpu.SemaphoreType.DMA,
            pltpu.SemaphoreType.DMA,
        ],
    )
    def body(uH, iH, jH, prH, rH, aH, bUH, bIH, tUH, gAH, gBH,
             out, idxU, idxI, idxJ, idxU2, idxJ2, prv, rv, ui, iuij, ji, red,
             bUt, bIt, tUt, av, pv, sems, semi, sema):
        wid = lax.axis_index("s") * _NC + lax.axis_index("c")
        base = wid * _BPW
        sl_all = pl.ds(base, _BPW)
        c_idx = [pltpu.async_copy(uH.at[sl_all], idxU, semi),
                 pltpu.async_copy(iH.at[sl_all], idxI, semi),
                 pltpu.async_copy(jH.at[sl_all], idxJ, semi)]
        c_aux = [pltpu.async_copy(prH.at[sl_all], prv, sema),
                 pltpu.async_copy(rH.at[sl_all], rv, sema),
                 pltpu.async_copy(bUH, bUt, sema),
                 pltpu.async_copy(bIH, bIt, sema),
                 pltpu.async_copy(tUH, tUt, sema),
                 pltpu.async_copy(aH, av, sema)]
        for cp in c_idx:
            cp.wait()

        def tbody(g, carry):
            off = pl.ds(g * 16, 16)
            u2 = idxU[off]
            j2 = idxJ[off]
            idxU2[off] = u2 + u2
            idxJ2[off] = j2 + j2 + 1
            return carry
        lax.fori_loop(0, _BPW // 16, tbody, 0, unroll=2)

        copies = []
        for c in range(_NCH):
            sl = pl.ds(c * _CH, _CH)
            copies.append([
                pltpu.async_copy(gBH.at[idxU2.at[sl]], ui.at[sl], sems[c]),
                pltpu.async_copy(gAH.at[idxI.at[sl]], iuij.at[sl], sems[c]),
                pltpu.async_copy(gBH.at[idxJ2.at[sl]], ji.at[sl], sems[c]),
            ])

        lanes = lax.iota(jnp.int32, 16)

        def sbody(s, carry):
            t32 = (ui[s, :] * iuij[s, pl.ds(0, _K)]
                   + iuij[s, pl.ds(_K, _K)] * ji[s, :])
            a, b = plsc.unpack(t32, format=plsc.PackFormat.INTERLEAVED)
            plsc.store_scatter(red, [s * 17 + lanes], a + b)
            return carry

        for c in range(_NCH):
            for cp in copies[c]:
                cp.wait()
            lax.fori_loop(c * _CH, (c + 1) * _CH, sbody, 0, unroll=2)

        for cp in c_aux:
            cp.wait()

        lanes17 = lanes * 17
        alpha_s = av[...]

        def gbody(g, acc):
            rbase = g * 272 + lanes17
            dot = jnp.zeros((16,), jnp.float32)
            for k in range(16):
                dot = dot + plsc.load_gather(red, [rbase + k])
            off = pl.ds(g * 16, 16)
            uu = idxU[off]
            ii = idxI[off]
            bu = plsc.load_gather(bUt, [uu])
            bi = plsc.load_gather(bIt, [ii])
            tu = plsc.load_gather(tUt, [uu])
            diff = alpha_s + bi + tu * prv[off] + bu + dot - rv[off]
            return acc + diff * diff
        acc = lax.fori_loop(0, _NG, gbody, jnp.zeros((16,), jnp.float32))
        pv[...] = acc
        pltpu.sync_copy(pv, out.at[wid // 8, pl.ds((wid % 8) * 16, 16)])

    return body(sampleU, sampleI, sampleJ, samplePR, sampleR, alphav,
                betaU, betaI, thetaU, gA, gB)


def _tc_reduce(partials):
    def body(p_ref, o_ref):
        o_ref[...] = jnp.reshape(
            0.5 * jnp.sum(p_ref[0:4, :]) * (1.0 / _B), (1, 1))
    return pl.pallas_call(
        body,
        out_shape=jax.ShapeDtypeStruct((1, 1), jnp.float32),
    )(partials)


def kernel(sampleU, sampleI, sampleJ, samplePR, sampleR, alpha,
           betaU, betaI, thetaU, gammaUI, gammaIU, gammaIJ, gammaJI):
    alpha1 = jnp.broadcast_to(
        jnp.reshape(alpha, (1,)).astype(jnp.float32), (16,))
    gA = jnp.concatenate(
        [gammaIU, gammaIJ], axis=1).astype(jnp.bfloat16)
    gB = jnp.reshape(
        jnp.concatenate([gammaUI, gammaJI], axis=1).astype(jnp.bfloat16),
        (2 * _NU, _K))
    partials = _sc_partials(
        sampleU, sampleI, sampleJ, samplePR, sampleR, alpha1,
        betaU, betaI, thetaU, gA, gB)
    return _tc_reduce(partials)[0, 0]

# --- scband reference (transcript-rebuilt; emitter-appended) ---
"""Pipeline reference for scband-rbmc-53626961657997 (READ-ONLY COPY).

The authoritative reference and input builder live on the scoring server;
editing this copy changes nothing except your own understanding.
"""

import jax, jax.numpy as jnp
import numpy as np

NU = 1000
NI = 1000
K = 32
B = 16384
UI = 1.0
IJ = 1.0


def setup_inputs(seed: int = 0) -> dict:
    key = jax.random.key(seed)
    ks = jax.random.split(key, 12)
    return {
        "sampleU": jax.random.randint(ks[0], (B,), 0, NU, dtype=jnp.int32),
        "sampleI": jax.random.randint(ks[1], (B,), 0, NI, dtype=jnp.int32),
        "sampleJ": jax.random.randint(ks[2], (B,), 0, NI, dtype=jnp.int32),
        "samplePR": jax.random.uniform(ks[3], (B,), dtype=jnp.float32),
        "sampleR": jax.random.uniform(ks[4], (B,), dtype=jnp.float32),
        "alpha": jnp.asarray(3.5, dtype=jnp.float32),
        "betaU": jax.random.normal(ks[5], (NU,), dtype=jnp.float32) * 0.001,
        "betaI": jax.random.normal(ks[6], (NI,), dtype=jnp.float32) * 0.001,
        "thetaU": jax.random.normal(ks[7], (NU,), dtype=jnp.float32) * 0.001,
        "gammaUI": jax.random.normal(ks[8], (NU, K), dtype=jnp.float32) * 0.001,
        "gammaIU": jax.random.normal(ks[9], (NI, K), dtype=jnp.float32) * 0.001,
        "gammaIJ": jax.random.normal(ks[10], (NI, K), dtype=jnp.float32) * 0.001,
        "gammaJI": jax.random.normal(ks[11], (NI, K), dtype=jnp.float32) * 0.001,
    }


def reference(sampleU, sampleI, sampleJ, samplePR, sampleR, alpha, betaU, betaI, thetaU, gammaUI, gammaIU, gammaIJ, gammaJI):
    # predictSample: embedding lookups (tf.nn.embedding_lookup -> jnp.take)
    gamma_ui = jnp.take(gammaUI, sampleU, axis=0)
    gamma_iu = jnp.take(gammaIU, sampleI, axis=0)
    gamma_ij = jnp.take(gammaIJ, sampleI, axis=0)
    gamma_ji = jnp.take(gammaJI, sampleJ, axis=0)
    beta_i = jnp.take(betaI, sampleI, axis=0)
    beta_u = jnp.take(betaU, sampleU, axis=0)
    theta_u = jnp.take(thetaU, sampleU, axis=0)
    little_bias = (beta_i + theta_u * samplePR + UI * beta_u
                   + UI * jnp.sum(gamma_ui * gamma_iu, axis=1)
                   + IJ * jnp.sum(gamma_ij * gamma_ji, axis=1))
    pred = alpha + little_bias
    # call: tf.nn.l2_loss(pred - r) / len(sampleR)
    diff = pred - sampleR
    return 0.5 * jnp.sum(diff * diff) / B

if __name__ == "__main__":
    import jax
    _d = setup_inputs()
    print(jax.jit(kernel)(*tuple(_d.values())))

</pallas_src>

<mosaic_0001>
#map = affine_map<(d0, d1) -> (0)>
#map1 = affine_map<(d0, d1) -> (0, 0)>
module attributes {stable_mosaic.version = 14 : i64} {
  func.func @body(%arg0: i32, %arg1: i32, %arg2: memref<16384xi32, #tpu.memory_space<hbm>>, %arg3: memref<16384xi32, #tpu.memory_space<hbm>>, %arg4: memref<16384xi32, #tpu.memory_space<hbm>>, %arg5: memref<16384xf32, #tpu.memory_space<hbm>>, %arg6: memref<16384xf32, #tpu.memory_space<hbm>>, %arg7: memref<16xf32, #tpu.memory_space<hbm>>, %arg8: memref<1000xf32, #tpu.memory_space<hbm>>, %arg9: memref<1000xf32, #tpu.memory_space<hbm>>, %arg10: memref<1000xf32, #tpu.memory_space<hbm>>, %arg11: memref<1000x64xbf16, #tpu.memory_space<hbm>>, %arg12: memref<2000x32xbf16, #tpu.memory_space<hbm>>, %arg13: memref<8x128xf32, #tpu.memory_space<hbm>>, %arg14: memref<512xi32, #tpu.memory_space<vmem>>, %arg15: memref<512xi32, #tpu.memory_space<vmem>>, %arg16: memref<512xi32, #tpu.memory_space<vmem>>, %arg17: memref<512xi32, #tpu.memory_space<vmem>>, %arg18: memref<512xi32, #tpu.memory_space<vmem>>, %arg19: memref<512xf32, #tpu.memory_space<vmem>>, %arg20: memref<512xf32, #tpu.memory_space<vmem>>, %arg21: memref<512x32xbf16, #tpu.memory_space<vmem>>, %arg22: memref<512x64xbf16, #tpu.memory_space<vmem>>, %arg23: memref<512x32xbf16, #tpu.memory_space<vmem>>, %arg24: memref<8704xf32, #tpu.memory_space<vmem>>, %arg25: memref<1000xf32, #tpu.memory_space<vmem>>, %arg26: memref<1000xf32, #tpu.memory_space<vmem>>, %arg27: memref<1000xf32, #tpu.memory_space<vmem>>, %arg28: memref<16xf32, #tpu.memory_space<vmem>>, %arg29: memref<16xf32, #tpu.memory_space<vmem>>, %arg30: memref<!tpu.dma_semaphore, #tpu.memory_space<semaphore_mem>>, %arg31: memref<!tpu.dma_semaphore, #tpu.memory_space<semaphore_mem>>, %arg32: memref<!tpu.dma_semaphore, #tpu.memory_space<semaphore_mem>>, %arg33: memref<!tpu.dma_semaphore, #tpu.memory_space<semaphore_mem>>, %arg34: memref<!tpu.dma_semaphore, #tpu.memory_space<semaphore_mem>>, %arg35: memref<!tpu.dma_semaphore, #tpu.memory_space<semaphore_mem>>) attributes {dimension_semantics = [#tpu.dimension_semantics<core_parallel>, #tpu.dimension_semantics<subcore_parallel>], iteration_bounds = array<i64: 2, 16>, scalar_prefetch = 0 : i64, scratch_operands = 22 : i64, tpu.core_type = #tpu.core_type<sc_vector_subcore>, window_params = [{transform_indices = #map}, {transform_indices = #map}, {transform_indices = #map}, {transform_indices = #map}, {transform_indices = #map}, {transform_indices = #map}, {transform_indices = #map}, {transform_indices = #map}, {transform_indices = #map}, {transform_indices = #map1}, {transform_indices = #map1}, {transform_indices = #map1}]} {
    %mul3A = arith.constant 2 : i32
    %mul3A_0 = arith.muli %arg1, %mul3A : i32
    %add3A = arith.addi %mul3A_0, %arg0 : i32
    %mul3A_1 = arith.constant 512 : i32
    %mul3A_2 = arith.muli %add3A, %mul3A_1 : i32
    %dma_start3A = tpu.memref_slice %arg2[%mul3A_2] : memref<16384xi32, #tpu.memory_space<hbm>> -> memref<512xi32, #tpu.memory_space<hbm>>
    %dma_start3A_3 = tpu.memref_slice %arg2[%mul3A_2] : memref<16384xi32, #tpu.memory_space<hbm>> -> memref<512xi32, #tpu.memory_space<hbm>>
    tpu.enqueue_dma source(%dma_start3A_3 : memref<512xi32, #tpu.memory_space<hbm>>) target(%arg14 : memref<512xi32, #tpu.memory_space<vmem>>) target_semaphore(%arg34 : memref<!tpu.dma_semaphore, #tpu.memory_space<semaphore_mem>>)
    %dma_start3A_4 = tpu.memref_slice %arg3[%mul3A_2] : memref<16384xi32, #tpu.memory_space<hbm>> -> memref<512xi32, #tpu.memory_space<hbm>>
    %dma_start3A_5 = tpu.memref_slice %arg3[%mul3A_2] : memref<16384xi32, #tpu.memory_space<hbm>> -> memref<512xi32, #tpu.memory_space<hbm>>
    tpu.enqueue_dma source(%dma_start3A_5 : memref<512xi32, #tpu.memory_space<hbm>>) target(%arg15 : memref<512xi32, #tpu.memory_space<vmem>>) target_semaphore(%arg34 : memref<!tpu.dma_semaphore, #tpu.memory_space<semaphore_mem>>)
    %dma_start3A_6 = tpu.memref_slice %arg4[%mul3A_2] : memref<16384xi32, #tpu.memory_space<hbm>> -> memref<512xi32, #tpu.memory_space<hbm>>
    %dma_start3A_7 = tpu.memref_slice %arg4[%mul3A_2] : memref<16384xi32, #tpu.memory_space<hbm>> -> memref<512xi32, #tpu.memory_space<hbm>>
    tpu.enqueue_dma source(%dma_start3A_7 : memref<512xi32, #tpu.memory_space<hbm>>) target(%arg16 : memref<512xi32, #tpu.memory_space<vmem>>) target_semaphore(%arg34 : memref<!tpu.dma_semaphore, #tpu.memory_space<semaphore_mem>>)
    %dma_start3A_8 = tpu.memref_slice %arg5[%mul3A_2] : memref<16384xf32, #tpu.memory_space<hbm>> -> memref<512xf32, #tpu.memory_space<hbm>>
    %dma_start3A_9 = tpu.memref_slice %arg5[%mul3A_2] : memref<16384xf32, #tpu.memory_space<hbm>> -> memref<512xf32, #tpu.memory_space<hbm>>
    tpu.enqueue_dma source(%dma_start3A_9 : memref<512xf32, #tpu.memory_space<hbm>>) target(%arg19 : memref<512xf32, #tpu.memory_space<vmem>>) target_semaphore(%arg35 : memref<!tpu.dma_semaphore, #tpu.memory_space<semaphore_mem>>)
    %dma_start3A_10 = tpu.memref_slice %arg6[%mul3A_2] : memref<16384xf32, #tpu.memory_space<hbm>> -> memref<512xf32, #tpu.memory_space<hbm>>
    %dma_start3A_11 = tpu.memref_slice %arg6[%mul3A_2] : memref<16384xf32, #tpu.memory_space<hbm>> -> memref<512xf32, #tpu.memory_space<hbm>>
    tpu.enqueue_dma source(%dma_start3A_11 : memref<512xf32, #tpu.memory_space<hbm>>) target(%arg20 : memref<512xf32, #tpu.memory_space<vmem>>) target_semaphore(%arg35 : memref<!tpu.dma_semaphore, #tpu.memory_space<semaphore_mem>>)
    tpu.enqueue_dma source(%arg8 : memref<1000xf32, #tpu.memory_space<hbm>>) target(%arg25 : memref<1000xf32, #tpu.memory_space<vmem>>) target_semaphore(%arg35 : memref<!tpu.dma_semaphore, #tpu.memory_space<semaphore_mem>>)
    tpu.enqueue_dma source(%arg9 : memref<1000xf32, #tpu.memory_space<hbm>>) target(%arg26 : memref<1000xf32, #tpu.memory_space<vmem>>) target_semaphore(%arg35 : memref<!tpu.dma_semaphore, #tpu.memory_space<semaphore_mem>>)
    tpu.enqueue_dma source(%arg10 : memref<1000xf32, #tpu.memory_space<hbm>>) target(%arg27 : memref<1000xf32, #tpu.memory_space<vmem>>) target_semaphore(%arg35 : memref<!tpu.dma_semaphore, #tpu.memory_space<semaphore_mem>>)
    tpu.enqueue_dma source(%arg7 : memref<16xf32, #tpu.memory_space<hbm>>) target(%arg28 : memref<16xf32, #tpu.memory_space<vmem>>) target_semaphore(%arg35 : memref<!tpu.dma_semaphore, #tpu.memory_space<semaphore_mem>>)
    %dma_wait3A = tpu.memref_slice %arg2[%mul3A_2] : memref<16384xi32, #tpu.memory_space<hbm>> -> memref<512xi32, #tpu.memory_space<hbm>>
    %dma_wait3A_12 = tpu.memref_slice %arg2[%mul3A_2] : memref<16384xi32, #tpu.memory_space<hbm>> -> memref<512xi32, #tpu.memory_space<hbm>>
    tpu.wait_dma2 semaphore(%arg34 : memref<!tpu.dma_semaphore, #tpu.memory_space<semaphore_mem>>) src(%dma_wait3A_12 : memref<512xi32, #tpu.memory_space<hbm>>) dst(%arg14 : memref<512xi32, #tpu.memory_space<vmem>>)
    %dma_wait3A_13 = tpu.memref_slice %arg3[%mul3A_2] : memref<16384xi32, #tpu.memory_space<hbm>> -> memref<512xi32, #tpu.memory_space<hbm>>
    %dma_wait3A_14 = tpu.memref_slice %arg3[%mul3A_2] : memref<16384xi32, #tpu.memory_space<hbm>> -> memref<512xi32, #tpu.memory_space<hbm>>
    tpu.wait_dma2 semaphore(%arg34 : memref<!tpu.dma_semaphore, #tpu.memory_space<semaphore_mem>>) src(%dma_wait3A_14 : memref<512xi32, #tpu.memory_space<hbm>>) dst(%arg15 : memref<512xi32, #tpu.memory_space<vmem>>)
    %dma_wait3A_15 = tpu.memref_slice %arg4[%mul3A_2] : memref<16384xi32, #tpu.memory_space<hbm>> -> memref<512xi32, #tpu.memory_space<hbm>>
    %dma_wait3A_16 = tpu.memref_slice %arg4[%mul3A_2] : memref<16384xi32, #tpu.memory_space<hbm>> -> memref<512xi32, #tpu.memory_space<hbm>>
    tpu.wait_dma2 semaphore(%arg34 : memref<!tpu.dma_semaphore, #tpu.memory_space<semaphore_mem>>) src(%dma_wait3A_16 : memref<512xi32, #tpu.memory_space<hbm>>) dst(%arg16 : memref<512xi32, #tpu.memory_space<vmem>>)
    %scan3A = arith.constant 0 : i32
    %scan3A_17 = arith.constant 0 : i32
    %scan3A_18 = arith.constant 32 : i32
    %scan3A_19 = arith.addi %scan3A_17, %scan3A_18 : i32
    %scan3A_20 = arith.constant 2 : i32
    scf.for %scan3A_286 = %scan3A_17 to %scan3A_19 step %scan3A_20  : i32 {
      %mul3A_287 = arith.constant 16 : i32
      %mul3A_288 = arith.muli %scan3A_286, %mul3A_287 : i32
      %get3A_289 = arith.index_cast %mul3A_288 : i32 to index
      %get3A_290 = tpu.vector_load %arg14[%get3A_289] {strides = array<i32>} : memref<512xi32, #tpu.memory_space<vmem>>, vector<16xi32>,
      %get3A_291 = arith.index_cast %mul3A_288 : i32 to index
      %get3A_292 = tpu.vector_load %arg16[%get3A_291] {strides = array<i32>} : memref<512xi32, #tpu.memory_space<vmem>>, vector<16xi32>,
      %add3A_293 = arith.addi %get3A_290, %get3A_290 : vector<16xi32>
      %swap3A_294 = arith.index_cast %mul3A_288 : i32 to index
      %swap3A_295 = tpu.vector_load %arg17[%swap3A_294] {strides = array<i32>} : memref<512xi32, #tpu.memory_space<vmem>>, vector<16xi32>,
      tpu.vector_store %arg17[%swap3A_294], %add3A_293 {strides = array<i32>} : memref<512xi32, #tpu.memory_space<vmem>>, vector<16xi32>,
      %add3A_296 = arith.addi %get3A_292, %get3A_292 : vector<16xi32>
      %add3A_297 = arith.constant 1 : i32
      %add3A_298 = vector.broadcast %add3A_297 : i32 to vector<16xi32>
      %add3A_299 = arith.addi %add3A_296, %add3A_298 : vector<16xi32>
      %swap3A_300 = arith.index_cast %mul3A_288 : i32 to index
      %swap3A_301 = tpu.vector_load %arg18[%swap3A_300] {strides = array<i32>} : memref<512xi32, #tpu.memory_space<vmem>>, vector<16xi32>,
      tpu.vector_store %arg18[%swap3A_300], %add3A_299 {strides = array<i32>} : memref<512xi32, #tpu.memory_space<vmem>>, vector<16xi32>,
      %scan3A_302 = arith.constant 1 : i32
      %scan3A_303 = arith.addi %scan3A_286, %scan3A_302 : i32
      %mul3A_304 = arith.constant 16 : i32
      %mul3A_305 = arith.muli %scan3A_303, %mul3A_304 : i32
      %get3A_306 = arith.index_cast %mul3A_305 : i32 to index
      %get3A_307 = tpu.vector_load %arg14[%get3A_306] {strides = array<i32>} : memref<512xi32, #tpu.memory_space<vmem>>, vector<16xi32>,
      %get3A_308 = arith.index_cast %mul3A_305 : i32 to index
      %get3A_309 = tpu.vector_load %arg16[%get3A_308] {strides = array<i32>} : memref<512xi32, #tpu.memory_space<vmem>>, vector<16xi32>,
      %add3A_310 = arith.addi %get3A_307, %get3A_307 : vector<16xi32>
      %swap3A_311 = arith.index_cast %mul3A_305 : i32 to index
      %swap3A_312 = tpu.vector_load %arg17[%swap3A_311] {strides = array<i32>} : memref<512xi32, #tpu.memory_space<vmem>>, vector<16xi32>,
      tpu.vector_store %arg17[%swap3A_311], %add3A_310 {strides = array<i32>} : memref<512xi32, #tpu.memory_space<vmem>>, vector<16xi32>,
      %add3A_313 = arith.addi %get3A_309, %get3A_309 : vector<16xi32>
      %add3A_314 = arith.constant 1 : i32
      %add3A_315 = vector.broadcast %add3A_314 : i32 to vector<16xi32>
      %add3A_316 = arith.addi %add3A_313, %add3A_315 : vector<16xi32>
      %swap3A_317 = arith.index_cast %mul3A_305 : i32 to index
      %swap3A_318 = tpu.vector_load %arg18[%swap3A_317] {strides = array<i32>} : memref<512xi32, #tpu.memory_space<vmem>>, vector<16xi32>,
      tpu.vector_store %arg18[%swap3A_317], %add3A_316 {strides = array<i32>} : memref<512xi32, #tpu.memory_space<vmem>>, vector<16xi32>,
    }
    %scan3A_21 = arith.constant 32 : i32
    %dma_start3A_22 = arith.constant 0 : i32
    %dma_start3A_23 = arith.constant 0 : i32
    %dma_start3A_24 = tpu.memref_slice %arg21[%dma_start3A_22, %dma_start3A_23] : memref<512x32xbf16, #tpu.memory_space<vmem>> -> memref<128x32xbf16, #tpu.memory_space<vmem>>
    %dma_start3A_25 = arith.constant 0 : i32
    %dma_start3A_26 = tpu.memref_slice %arg17[%dma_start3A_25] : memref<512xi32, #tpu.memory_space<vmem>> -> memref<128xi32, #tpu.memory_space<vmem>>
    %dma_start3A_27 = arith.constant 0 : i32
    %dma_start3A_28 = arith.constant 0 : i32
    %dma_start3A_29 = tpu.memref_slice %arg12[%dma_start3A_27, %dma_start3A_28] : memref<2000x32xbf16, #tpu.memory_space<hbm>> -> memref<2000x32xbf16, #tpu.memory_space<hbm>>
    tpu.enqueue_indirect_dma source(%dma_start3A_29 : memref<2000x32xbf16, #tpu.memory_space<hbm>>) target(%dma_start3A_24 : memref<128x32xbf16, #tpu.memory_space<vmem>>) offsets(%dma_start3A_26 : memref<128xi32, #tpu.memory_space<vmem>>) semaphore(%arg30 : memref<!tpu.dma_semaphore, #tpu.memory_space<semaphore_mem>>)
    %dma_start3A_30 = arith.constant 0 : i32
    %dma_start3A_31 = arith.constant 0 : i32
    %dma_start3A_32 = tpu.memref_slice %arg22[%dma_start3A_30, %dma_start3A_31] : memref<512x64xbf16, #tpu.memory_space<vmem>> -> memref<128x64xbf16, #tpu.memory_space<vmem>>
    %dma_start3A_33 = arith.constant 0 : i32
    %dma_start3A_34 = tpu.memref_slice %arg15[%dma_start3A_33] : memref<512xi32, #tpu.memory_space<vmem>> -> memref<128xi32, #tpu.memory_space<vmem>>
    %dma_start3A_35 = arith.constant 0 : i32
    %dma_start3A_36 = arith.constant 0 : i32
    %dma_start3A_37 = tpu.memref_slice %arg11[%dma_start3A_35, %dma_start3A_36] : memref<1000x64xbf16, #tpu.memory_space<hbm>> -> memref<1000x64xbf16, #tpu.memory_space<hbm>>
    tpu.enqueue_indirect_dma source(%dma_start3A_37 : memref<1000x64xbf16, #tpu.memory_space<hbm>>) target(%dma_start3A_32 : memref<128x64xbf16, #tpu.memory_space<vmem>>) offsets(%dma_start3A_34 : memref<128xi32, #tpu.memory_space<vmem>>) semaphore(%arg30 : memref<!tpu.dma_semaphore, #tpu.memory_space<semaphore_mem>>)
    %dma_start3A_38 = arith.constant 0 : i32
    %dma_start3A_39 = arith.constant 0 : i32
    %dma_start3A_40 = tpu.memref_slice %arg23[%dma_start3A_38, %dma_start3A_39] : memref<512x32xbf16, #tpu.memory_space<vmem>> -> memref<128x32xbf16, #tpu.memory_space<vmem>>
    %dma_start3A_41 = arith.constant 0 : i32
    %dma_start3A_42 = tpu.memref_slice %arg18[%dma_start3A_41] : memref<512xi32, #tpu.memory_space<vmem>> -> memref<128xi32, #tpu.memory_space<vmem>>
    %dma_start3A_43 = arith.constant 0 : i32
    %dma_start3A_44 = arith.constant 0 : i32
    %dma_start3A_45 = tpu.memref_slice %arg12[%dma_start3A_43, %dma_start3A_44] : memref<2000x32xbf16, #tpu.memory_space<hbm>> -> memref<2000x32xbf16, #tpu.memory_space<hbm>>
    tpu.enqueue_indirect_dma source(%dma_start3A_45 : memref<2000x32xbf16, #tpu.memory_space<hbm>>) target(%dma_start3A_40 : memref<128x32xbf16, #tpu.memory_space<vmem>>) offsets(%dma_start3A_42 : memref<128xi32, #tpu.memory_space<vmem>>) semaphore(%arg30 : memref<!tpu.dma_semaphore, #tpu.memory_space<semaphore_mem>>)
    %dma_start3A_46 = arith.constant 128 : i32
    %dma_start3A_47 = arith.constant 0 : i32
    %dma_start3A_48 = tpu.memref_slice %arg21[%dma_start3A_46, %dma_start3A_47] : memref<512x32xbf16, #tpu.memory_space<vmem>> -> memref<128x32xbf16, #tpu.memory_space<vmem>>
    %dma_start3A_49 = arith.constant 128 : i32
    %dma_start3A_50 = tpu.memref_slice %arg17[%dma_start3A_49] : memref<512xi32, #tpu.memory_space<vmem>> -> memref<128xi32, #tpu.memory_space<vmem>>
    %dma_start3A_51 = arith.constant 0 : i32
    %dma_start3A_52 = arith.constant 0 : i32
    %dma_start3A_53 = tpu.memref_slice %arg12[%dma_start3A_51, %dma_start3A_52] : memref<2000x32xbf16, #tpu.memory_space<hbm>> -> memref<2000x32xbf16, #tpu.memory_space<hbm>>
    tpu.enqueue_indirect_dma source(%dma_start3A_53 : memref<2000x32xbf16, #tpu.memory_space<hbm>>) target(%dma_start3A_48 : memref<128x32xbf16, #tpu.memory_space<vmem>>) offsets(%dma_start3A_50 : memref<128xi32, #tpu.memory_space<vmem>>) semaphore(%arg31 : memref<!tpu.dma_semaphore, #tpu.memory_space<semaphore_mem>>)
    %dma_start3A_54 = arith.constant 128 : i32
    %dma_start3A_55 = arith.constant 0 : i32
    %dma_start3A_56 = tpu.memref_slice %arg22[%dma_start3A_54, %dma_start3A_55] : memref<512x64xbf16, #tpu.memory_space<vmem>> -> memref<128x64xbf16, #tpu.memory_space<vmem>>
    %dma_start3A_57 = arith.constant 128 : i32
    %dma_start3A_58 = tpu.memref_slice %arg15[%dma_start3A_57] : memref<512xi32, #tpu.memory_space<vmem>> -> memref<128xi32, #tpu.memory_space<vmem>>
    %dma_start3A_59 = arith.constant 0 : i32
    %dma_start3A_60 = arith.constant 0 : i32
    %dma_start3A_61 = tpu.memref_slice %arg11[%dma_start3A_59, %dma_start3A_60] : memref<1000x64xbf16, #tpu.memory_space<hbm>> -> memref<1000x64xbf16, #tpu.memory_space<hbm>>
    tpu.enqueue_indirect_dma source(%dma_start3A_61 : memref<1000x64xbf16, #tpu.memory_space<hbm>>) target(%dma_start3A_56 : memref<128x64xbf16, #tpu.memory_space<vmem>>) offsets(%dma_start3A_58 : memref<128xi32, #tpu.memory_space<vmem>>) semaphore(%arg31 : memref<!tpu.dma_semaphore, #tpu.memory_space<semaphore_mem>>)
    %dma_start3A_62 = arith.constant 128 : i32
    %dma_start3A_63 = arith.constant 0 : i32
    %dma_start3A_64 = tpu.memref_slice %arg23[%dma_start3A_62, %dma_start3A_63] : memref<512x32xbf16, #tpu.memory_space<vmem>> -> memref<128x32xbf16, #tpu.memory_space<vmem>>
    %dma_start3A_65 = arith.constant 128 : i32
    %dma_start3A_66 = tpu.memref_slice %arg18[%dma_start3A_65] : memref<512xi32, #tpu.memory_space<vmem>> -> memref<128xi32, #tpu.memory_space<vmem>>
    %dma_start3A_67 = arith.constant 0 : i32
    %dma_start3A_68 = arith.constant 0 : i32
    %dma_start3A_69 = tpu.memref_slice %arg12[%dma_start3A_67, %dma_start3A_68] : memref<2000x32xbf16, #tpu.memory_space<hbm>> -> memref<2000x32xbf16, #tpu.memory_space<hbm>>
    tpu.enqueue_indirect_dma source(%dma_start3A_69 : memref<2000x32xbf16, #tpu.memory_space<hbm>>) target(%dma_start3A_64 : memref<128x32xbf16, #tpu.memory_space<vmem>>) offsets(%dma_start3A_66 : memref<128xi32, #tpu.memory_space<vmem>>) semaphore(%arg31 : memref<!tpu.dma_semaphore, #tpu.memory_space<semaphore_mem>>)
    %dma_start3A_70 = arith.constant 256 : i32
    %dma_start3A_71 = arith.constant 0 : i32
    %dma_start3A_72 = tpu.memref_slice %arg21[%dma_start3A_70, %dma_start3A_71] : memref<512x32xbf16, #tpu.memory_space<vmem>> -> memref<128x32xbf16, #tpu.memory_space<vmem>>
    %dma_start3A_73 = arith.constant 256 : i32
    %dma_start3A_74 = tpu.memref_slice %arg17[%dma_start3A_73] : memref<512xi32, #tpu.memory_space<vmem>> -> memref<128xi32, #tpu.memory_space<vmem>>
    %dma_start3A_75 = arith.constant 0 : i32
    %dma_start3A_76 = arith.constant 0 : i32
    %dma_start3A_77 = tpu.memref_slice %arg12[%dma_start3A_75, %dma_start3A_76] : memref<2000x32xbf16, #tpu.memory_space<hbm>> -> memref<2000x32xbf16, #tpu.memory_space<hbm>>
    tpu.enqueue_indirect_dma source(%dma_start3A_77 : memref<2000x32xbf16, #tpu.memory_space<hbm>>) target(%dma_start3A_72 : memref<128x32xbf16, #tpu.memory_space<vmem>>) offsets(%dma_start3A_74 : memref<128xi32, #tpu.memory_space<vmem>>) semaphore(%arg32 : memref<!tpu.dma_semaphore, #tpu.memory_space<semaphore_mem>>)
    %dma_start3A_78 = arith.constant 256 : i32
    %dma_start3A_79 = arith.constant 0 : i32
    %dma_start3A_80 = tpu.memref_slice %arg22[%dma_start3A_78, %dma_start3A_79] : memref<512x64xbf16, #tpu.memory_space<vmem>> -> memref<128x64xbf16, #tpu.memory_space<vmem>>
    %dma_start3A_81 = arith.constant 256 : i32
    %dma_start3A_82 = tpu.memref_slice %arg15[%dma_start3A_81] : memref<512xi32, #tpu.memory_space<vmem>> -> memref<128xi32, #tpu.memory_space<vmem>>
    %dma_start3A_83 = arith.constant 0 : i32
    %dma_start3A_84 = arith.constant 0 : i32
    %dma_start3A_85 = tpu.memref_slice %arg11[%dma_start3A_83, %dma_start3A_84] : memref<1000x64xbf16, #tpu.memory_space<hbm>> -> memref<1000x64xbf16, #tpu.memory_space<hbm>>
    tpu.enqueue_indirect_dma source(%dma_start3A_85 : memref<1000x64xbf16, #tpu.memory_space<hbm>>) target(%dma_start3A_80 : memref<128x64xbf16, #tpu.memory_space<vmem>>) offsets(%dma_start3A_82 : memref<128xi32, #tpu.memory_space<vmem>>) semaphore(%arg32 : memref<!tpu.dma_semaphore, #tpu.memory_space<semaphore_mem>>)
    %dma_start3A_86 = arith.constant 256 : i32
    %dma_start3A_87 = arith.constant 0 : i32
    %dma_start3A_88 = tpu.memref_slice %arg23[%dma_start3A_86, %dma_start3A_87] : memref<512x32xbf16, #tpu.memory_space<vmem>> -> memref<128x32xbf16, #tpu.memory_space<vmem>>
    %dma_start3A_89 = arith.constant 256 : i32
    %dma_start3A_90 = tpu.memref_slice %arg18[%dma_start3A_89] : memref<512xi32, #tpu.memory_space<vmem>> -> memref<128xi32, #tpu.memory_space<vmem>>
    %dma_start3A_91 = arith.constant 0 : i32
    %dma_start3A_92 = arith.constant 0 : i32
    %dma_start3A_93 = tpu.memref_slice %arg12[%dma_start3A_91, %dma_start3A_92] : memref<2000x32xbf16, #tpu.memory_space<hbm>> -> memref<2000x32xbf16, #tpu.memory_space<hbm>>
    tpu.enqueue_indirect_dma source(%dma_start3A_93 : memref<2000x32xbf16, #tpu.memory_space<hbm>>) target(%dma_start3A_88 : memref<128x32xbf16, #tpu.memory_space<vmem>>) offsets(%dma_start3A_90 : memref<128xi32, #tpu.memory_space<vmem>>) semaphore(%arg32 : memref<!tpu.dma_semaphore, #tpu.memory_space<semaphore_mem>>)
    %dma_start3A_94 = arith.constant 384 : i32
    %dma_start3A_95 = arith.constant 0 : i32
    %dma_start3A_96 = tpu.memref_slice %arg21[%dma_start3A_94, %dma_start3A_95] : memref<512x32xbf16, #tpu.memory_space<vmem>> -> memref<128x32xbf16, #tpu.memory_space<vmem>>
    %dma_start3A_97 = arith.constant 384 : i32
    %dma_start3A_98 = tpu.memref_slice %arg17[%dma_start3A_97] : memref<512xi32, #tpu.memory_space<vmem>> -> memref<128xi32, #tpu.memory_space<vmem>>
    %dma_start3A_99 = arith.constant 0 : i32
    %dma_start3A_100 = arith.constant 0 : i32
    %dma_start3A_101 = tpu.memref_slice %arg12[%dma_start3A_99, %dma_start3A_100] : memref<2000x32xbf16, #tpu.memory_space<hbm>> -> memref<2000x32xbf16, #tpu.memory_space<hbm>>
    tpu.enqueue_indirect_dma source(%dma_start3A_101 : memref<2000x32xbf16, #tpu.memory_space<hbm>>) target(%dma_start3A_96 : memref<128x32xbf16, #tpu.memory_space<vmem>>) offsets(%dma_start3A_98 : memref<128xi32, #tpu.memory_space<vmem>>) semaphore(%arg33 : memref<!tpu.dma_semaphore, #tpu.memory_space<semaphore_mem>>)
    %dma_start3A_102 = arith.constant 384 : i32
    %dma_start3A_103 = arith.constant 0 : i32
    %dma_start3A_104 = tpu.memref_slice %arg22[%dma_start3A_102, %dma_start3A_103] : memref<512x64xbf16, #tpu.memory_space<vmem>> -> memref<128x64xbf16, #tpu.memory_space<vmem>>
    %dma_start3A_105 = arith.constant 384 : i32
    %dma_start3A_106 = tpu.memref_slice %arg15[%dma_start3A_105] : memref<512xi32, #tpu.memory_space<vmem>> -> memref<128xi32, #tpu.memory_space<vmem>>
    %dma_start3A_107 = arith.constant 0 : i32
    %dma_start3A_108 = arith.constant 0 : i32
    %dma_start3A_109 = tpu.memref_slice %arg11[%dma_start3A_107, %dma_start3A_108] : memref<1000x64xbf16, #tpu.memory_space<hbm>> -> memref<1000x64xbf16, #tpu.memory_space<hbm>>
    tpu.enqueue_indirect_dma source(%dma_start3A_109 : memref<1000x64xbf16, #tpu.memory_space<hbm>>) target(%dma_start3A_104 : memref<128x64xbf16, #tpu.memory_space<vmem>>) offsets(%dma_start3A_106 : memref<128xi32, #tpu.memory_space<vmem>>) semaphore(%arg33 : memref<!tpu.dma_semaphore, #tpu.memory_space<semaphore_mem>>)
    %dma_start3A_110 = arith.constant 384 : i32
    %dma_start3A_111 = arith.constant 0 : i32
    %dma_start3A_112 = tpu.memref_slice %arg23[%dma_start3A_110, %dma_start3A_111] : memref<512x32xbf16, #tpu.memory_space<vmem>> -> memref<128x32xbf16, #tpu.memory_space<vmem>>
    %dma_start3A_113 = arith.constant 384 : i32
    %dma_start3A_114 = tpu.memref_slice %arg18[%dma_start3A_113] : memref<512xi32, #tpu.memory_space<vmem>> -> memref<128xi32, #tpu.memory_space<vmem>>
    %dma_start3A_115 = arith.constant 0 : i32
    %dma_start3A_116 = arith.constant 0 : i32
    %dma_start3A_117 = tpu.memref_slice %arg12[%dma_start3A_115, %dma_start3A_116] : memref<2000x32xbf16, #tpu.memory_space<hbm>> -> memref<2000x32xbf16, #tpu.memory_space<hbm>>
    tpu.enqueue_indirect_dma source(%dma_start3A_117 : memref<2000x32xbf16, #tpu.memory_space<hbm>>) target(%dma_start3A_112 : memref<128x32xbf16, #tpu.memory_space<vmem>>) offsets(%dma_start3A_114 : memref<128xi32, #tpu.memory_space<vmem>>) semaphore(%arg33 : memref<!tpu.dma_semaphore, #tpu.memory_space<semaphore_mem>>)
    %iota3A = tpu.iota {dimensions = array<i32: 0>} : vector<16xi32>
    %dma_wait3A_118 = arith.constant 0 : i32
    %dma_wait3A_119 = arith.constant 0 : i32
    %dma_wait3A_120 = tpu.memref_slice %arg21[%dma_wait3A_118, %dma_wait3A_119] : memref<512x32xbf16, #tpu.memory_space<vmem>> -> memref<128x32xbf16, #tpu.memory_space<vmem>>
    %dma_wait3A_121 = arith.constant 0 : i32
    %dma_wait3A_122 = tpu.memref_slice %arg17[%dma_wait3A_121] : memref<512xi32, #tpu.memory_space<vmem>> -> memref<128xi32, #tpu.memory_space<vmem>>
    %dma_wait3A_123 = arith.constant 0 : i32
    %dma_wait3A_124 = arith.constant 0 : i32
    %dma_wait3A_125 = tpu.memref_slice %arg12[%dma_wait3A_123, %dma_wait3A_124] : memref<2000x32xbf16, #tpu.memory_space<hbm>> -> memref<2000x32xbf16, #tpu.memory_space<hbm>>
    tpu.wait_indirect_dma semaphore(%arg30 : memref<!tpu.dma_semaphore, #tpu.memory_space<semaphore_mem>>) src(%dma_wait3A_125 : memref<2000x32xbf16, #tpu.memory_space<hbm>>) dst(%dma_wait3A_120 : memref<128x32xbf16, #tpu.memory_space<vmem>>)
    %dma_wait3A_126 = arith.constant 0 : i32
    %dma_wait3A_127 = arith.constant 0 : i32
    %dma_wait3A_128 = tpu.memref_slice %arg22[%dma_wait3A_126, %dma_wait3A_127] : memref<512x64xbf16, #tpu.memory_space<vmem>> -> memref<128x64xbf16, #tpu.memory_space<vmem>>
    %dma_wait3A_129 = arith.constant 0 : i32
    %dma_wait3A_130 = tpu.memref_slice %arg15[%dma_wait3A_129] : memref<512xi32, #tpu.memory_space<vmem>> -> memref<128xi32, #tpu.memory_space<vmem>>
    %dma_wait3A_131 = arith.constant 0 : i32
    %dma_wait3A_132 = arith.constant 0 : i32
    %dma_wait3A_133 = tpu.memref_slice %arg11[%dma_wait3A_131, %dma_wait3A_132] : memref<1000x64xbf16, #tpu.memory_space<hbm>> -> memref<1000x64xbf16, #tpu.memory_space<hbm>>
    tpu.wait_indirect_dma semaphore(%arg30 : memref<!tpu.dma_semaphore, #tpu.memory_space<semaphore_mem>>) src(%dma_wait3A_133 : memref<1000x64xbf16, #tpu.memory_space<hbm>>) dst(%dma_wait3A_128 : memref<128x64xbf16, #tpu.memory_space<vmem>>)
    %dma_wait3A_134 = arith.constant 0 : i32
    %dma_wait3A_135 = arith.constant 0 : i32
    %dma_wait3A_136 = tpu.memref_slice %arg23[%dma_wait3A_134, %dma_wait3A_135] : memref<512x32xbf16, #tpu.memory_space<vmem>> -> memref<128x32xbf16, #tpu.memory_space<vmem>>
    %dma_wait3A_137 = arith.constant 0 : i32
    %dma_wait3A_138 = tpu.memref_slice %arg18[%dma_wait3A_137] : memref<512xi32, #tpu.memory_space<vmem>> -> memref<128xi32, #tpu.memory_space<vmem>>
    %dma_wait3A_139 = arith.constant 0 : i32
    %dma_wait3A_140 = arith.constant 0 : i32
    %dma_wait3A_141 = tpu.memref_slice %arg12[%dma_wait3A_139, %dma_wait3A_140] : memref<2000x32xbf16, #tpu.memory_space<hbm>> -> memref<2000x32xbf16, #tpu.memory_space<hbm>>
    tpu.wait_indirect_dma semaphore(%arg30 : memref<!tpu.dma_semaphore, #tpu.memory_space<semaphore_mem>>) src(%dma_wait3A_141 : memref<2000x32xbf16, #tpu.memory_space<hbm>>) dst(%dma_wait3A_136 : memref<128x32xbf16, #tpu.memory_space<vmem>>)
    %scan3A_142 = arith.constant 0 : i32
    %scan3A_143 = arith.constant 0 : i32
    %scan3A_144 = arith.constant 128 : i32
    %scan3A_145 = arith.addi %scan3A_143, %scan3A_144 : i32
    %scan3A_146 = arith.constant 2 : i32
    scf.for %scan3A_286 = %scan3A_143 to %scan3A_145 step %scan3A_146  : i32 {
      %get3A_287 = arith.index_cast %scan3A_286 : i32 to index
      %get3A_288 = arith.constant 0 : index
      %get3A_289 = tpu.vector_load %arg21[%get3A_287, %get3A_288] {strides = array<i32>} : memref<512x32xbf16, #tpu.memory_space<vmem>>, vector<32xbf16>,
      %get3A_290 = arith.index_cast %scan3A_286 : i32 to index
      %get3A_291 = arith.constant 0 : index
      %get3A_292 = tpu.vector_load %arg22[%get3A_290, %get3A_291] {strides = array<i32>} : memref<512x64xbf16, #tpu.memory_space<vmem>>, vector<32xbf16>,
      %mul3A_293 = arith.mulf %get3A_289, %get3A_292 : vector<32xbf16>
      %get3A_294 = arith.index_cast %scan3A_286 : i32 to index
      %get3A_295 = arith.constant 32 : index
      %get3A_296 = tpu.vector_load %arg22[%get3A_294, %get3A_295] {strides = array<i32>} : memref<512x64xbf16, #tpu.memory_space<vmem>>, vector<32xbf16>,
      %get3A_297 = arith.index_cast %scan3A_286 : i32 to index
      %get3A_298 = arith.constant 0 : index
      %get3A_299 = tpu.vector_load %arg23[%get3A_297, %get3A_298] {strides = array<i32>} : memref<512x32xbf16, #tpu.memory_space<vmem>>, vector<32xbf16>,
      %mul3A_300 = arith.mulf %get3A_296, %get3A_299 : vector<32xbf16>
      %add3A_301 = arith.addf %mul3A_293, %mul3A_300 : vector<32xbf16>
      %unpack3A = tpu.unpack_subelements %add3A_301, 0 {pack_format = #tpu.pack_format<interleaved>} : vector<32xbf16> -> vector<16xf32>
      %unpack3A_302 = tpu.unpack_subelements %add3A_301, 1 {pack_format = #tpu.pack_format<interleaved>} : vector<32xbf16> -> vector<16xf32>
      %mul3A_303 = arith.constant 17 : i32
      %mul3A_304 = arith.muli %scan3A_286, %mul3A_303 : i32
      %add3A_305 = vector.broadcast %mul3A_304 : i32 to vector<16xi32>
      %add3A_306 = arith.addi %add3A_305, %iota3A : vector<16xi32>
      %add3A_307 = arith.addf %unpack3A, %unpack3A_302 : vector<16xf32>
      tpu.vector_store_idx %arg24[%add3A_306], %add3A_307 : memref<8704xf32, #tpu.memory_space<vmem>>[vector<16xi32>], vector<16xf32>,
      %scan3A_308 = arith.constant 1 : i32
      %scan3A_309 = arith.addi %scan3A_286, %scan3A_308 : i32
      %get3A_310 = arith.index_cast %scan3A_309 : i32 to index
      %get3A_311 = arith.constant 0 : index
      %get3A_312 = tpu.vector_load %arg21[%get3A_310, %get3A_311] {strides = array<i32>} : memref<512x32xbf16, #tpu.memory_space<vmem>>, vector<32xbf16>,
      %get3A_313 = arith.index_cast %scan3A_309 : i32 to index
      %get3A_314 = arith.constant 0 : index
      %get3A_315 = tpu.vector_load %arg22[%get3A_313, %get3A_314] {strides = array<i32>} : memref<512x64xbf16, #tpu.memory_space<vmem>>, vector<32xbf16>,
      %mul3A_316 = arith.mulf %get3A_312, %get3A_315 : vector<32xbf16>
      %get3A_317 = arith.index_cast %scan3A_309 : i32 to index
      %get3A_318 = arith.constant 32 : index
      %get3A_319 = tpu.vector_load %arg22[%get3A_317, %get3A_318] {strides = array<i32>} : memref<512x64xbf16, #tpu.memory_space<vmem>>, vector<32xbf16>,
      %get3A_320 = arith.index_cast %scan3A_309 : i32 to index
      %get3A_321 = arith.constant 0 : index
      %get3A_322 = tpu.vector_load %arg23[%get3A_320, %get3A_321] {strides = array<i32>} : memref<512x32xbf16, #tpu.memory_space<vmem>>, vector<32xbf16>,
      %mul3A_323 = arith.mulf %get3A_319, %get3A_322 : vector<32xbf16>
      %add3A_324 = arith.addf %mul3A_316, %mul3A_323 : vector<32xbf16>
      %unpack3A_325 = tpu.unpack_subelements %add3A_324, 0 {pack_format = #tpu.pack_format<interleaved>} : vector<32xbf16> -> vector<16xf32>
      %unpack3A_326 = tpu.unpack_subelements %add3A_324, 1 {pack_format = #tpu.pack_format<interleaved>} : vector<32xbf16> -> vector<16xf32>
      %mul3A_327 = arith.constant 17 : i32
      %mul3A_328 = arith.muli %scan3A_309, %mul3A_327 : i32
      %add3A_329 = vector.broadcast %mul3A_328 : i32 to vector<16xi32>
      %add3A_330 = arith.addi %add3A_329, %iota3A : vector<16xi32>
      %add3A_331 = arith.addf %unpack3A_325, %unpack3A_326 : vector<16xf32>
      tpu.vector_store_idx %arg24[%add3A_330], %add3A_331 : memref<8704xf32, #tpu.memory_space<vmem>>[vector<16xi32>], vector<16xf32>,
    }
    %scan3A_147 = arith.constant 128 : i32
    %dma_wait3A_148 = arith.constant 128 : i32
    %dma_wait3A_149 = arith.constant 0 : i32
    %dma_wait3A_150 = tpu.memref_slice %arg21[%dma_wait3A_148, %dma_wait3A_149] : memref<512x32xbf16, #tpu.memory_space<vmem>> -> memref<128x32xbf16, #tpu.memory_space<vmem>>
    %dma_wait3A_151 = arith.constant 128 : i32
    %dma_wait3A_152 = tpu.memref_slice %arg17[%dma_wait3A_151] : memref<512xi32, #tpu.memory_space<vmem>> -> memref<128xi32, #tpu.memory_space<vmem>>
    %dma_wait3A_153 = arith.constant 0 : i32
    %dma_wait3A_154 = arith.constant 0 : i32
    %dma_wait3A_155 = tpu.memref_slice %arg12[%dma_wait3A_153, %dma_wait3A_154] : memref<2000x32xbf16, #tpu.memory_space<hbm>> -> memref<2000x32xbf16, #tpu.memory_space<hbm>>
    tpu.wait_indirect_dma semaphore(%arg31 : memref<!tpu.dma_semaphore, #tpu.memory_space<semaphore_mem>>) src(%dma_wait3A_155 : memref<2000x32xbf16, #tpu.memory_space<hbm>>) dst(%dma_wait3A_150 : memref<128x32xbf16, #tpu.memory_space<vmem>>)
    %dma_wait3A_156 = arith.constant 128 : i32
    %dma_wait3A_157 = arith.constant 0 : i32
    %dma_wait3A_158 = tpu.memref_slice %arg22[%dma_wait3A_156, %dma_wait3A_157] : memref<512x64xbf16, #tpu.memory_space<vmem>> -> memref<128x64xbf16, #tpu.memory_space<vmem>>
    %dma_wait3A_159 = arith.constant 128 : i32
    %dma_wait3A_160 = tpu.memref_slice %arg15[%dma_wait3A_159] : memref<512xi32, #tpu.memory_space<vmem>> -> memref<128xi32, #tpu.memory_space<vmem>>
    %dma_wait3A_161 = arith.constant 0 : i32
    %dma_wait3A_162 = arith.constant 0 : i32
    %dma_wait3A_163 = tpu.memref_slice %arg11[%dma_wait3A_161, %dma_wait3A_162] : memref<1000x64xbf16, #tpu.memory_space<hbm>> -> memref<1000x64xbf16, #tpu.memory_space<hbm>>
    tpu.wait_indirect_dma semaphore(%arg31 : memref<!tpu.dma_semaphore, #tpu.memory_space<semaphore_mem>>) src(%dma_wait3A_163 : memref<1000x64xbf16, #tpu.memory_space<hbm>>) dst(%dma_wait3A_158 : memref<128x64xbf16, #tpu.memory_space<vmem>>)
    %dma_wait3A_164 = arith.constant 128 : i32
    %dma_wait3A_165 = arith.constant 0 : i32
    %dma_wait3A_166 = tpu.memref_slice %arg23[%dma_wait3A_164, %dma_wait3A_165] : memref<512x32xbf16, #tpu.memory_space<vmem>> -> memref<128x32xbf16, #tpu.memory_space<vmem>>
    %dma_wait3A_167 = arith.constant 128 : i32
    %dma_wait3A_168 = tpu.memref_slice %arg18[%dma_wait3A_167] : memref<512xi32, #tpu.memory_space<vmem>> -> memref<128xi32, #tpu.memory_space<vmem>>
    %dma_wait3A_169 = arith.constant 0 : i32
    %dma_wait3A_170 = arith.constant 0 : i32
    %dma_wait3A_171 = tpu.memref_slice %arg12[%dma_wait3A_169, %dma_wait3A_170] : memref<2000x32xbf16, #tpu.memory_space<hbm>> -> memref<2000x32xbf16, #tpu.memory_space<hbm>>
    tpu.wait_indirect_dma semaphore(%arg31 : memref<!tpu.dma_semaphore, #tpu.memory_space<semaphore_mem>>) src(%dma_wait3A_171 : memref<2000x32xbf16, #tpu.memory_space<hbm>>) dst(%dma_wait3A_166 : memref<128x32xbf16, #tpu.memory_space<vmem>>)
    %scan3A_172 = arith.constant 0 : i32
    %scan3A_173 = arith.constant 128 : i32
    %scan3A_174 = arith.constant 128 : i32
    %scan3A_175 = arith.addi %scan3A_173, %scan3A_174 : i32
    %scan3A_176 = arith.constant 2 : i32
    scf.for %scan3A_286 = %scan3A_173 to %scan3A_175 step %scan3A_176  : i32 {
      %get3A_287 = arith.index_cast %scan3A_286 : i32 to index
      %get3A_288 = arith.constant 0 : index
      %get3A_289 = tpu.vector_load %arg21[%get3A_287, %get3A_288] {strides = array<i32>} : memref<512x32xbf16, #tpu.memory_space<vmem>>, vector<32xbf16>,
      %get3A_290 = arith.index_cast %scan3A_286 : i32 to index
      %get3A_291 = arith.constant 0 : index
      %get3A_292 = tpu.vector_load %arg22[%get3A_290, %get3A_291] {strides = array<i32>} : memref<512x64xbf16, #tpu.memory_space<vmem>>, vector<32xbf16>,
      %mul3A_293 = arith.mulf %get3A_289, %get3A_292 : vector<32xbf16>
      %get3A_294 = arith.index_cast %scan3A_286 : i32 to index
      %get3A_295 = arith.constant 32 : index
      %get3A_296 = tpu.vector_load %arg22[%get3A_294, %get3A_295] {strides = array<i32>} : memref<512x64xbf16, #tpu.memory_space<vmem>>, vector<32xbf16>,
      %get3A_297 = arith.index_cast %scan3A_286 : i32 to index
      %get3A_298 = arith.constant 0 : index
      %get3A_299 = tpu.vector_load %arg23[%get3A_297, %get3A_298] {strides = array<i32>} : memref<512x32xbf16, #tpu.memory_space<vmem>>, vector<32xbf16>,
      %mul3A_300 = arith.mulf %get3A_296, %get3A_299 : vector<32xbf16>
      %add3A_301 = arith.addf %mul3A_293, %mul3A_300 : vector<32xbf16>
      %unpack3A = tpu.unpack_subelements %add3A_301, 0 {pack_format = #tpu.pack_format<interleaved>} : vector<32xbf16> -> vector<16xf32>
      %unpack3A_302 = tpu.unpack_subelements %add3A_301, 1 {pack_format = #tpu.pack_format<interleaved>} : vector<32xbf16> -> vector<16xf32>
      %mul3A_303 = arith.constant 17 : i32
      %mul3A_304 = arith.muli %scan3A_286, %mul3A_303 : i32
      %add3A_305 = vector.broadcast %mul3A_304 : i32 to vector<16xi32>
      %add3A_306 = arith.addi %add3A_305, %iota3A : vector<16xi32>
      %add3A_307 = arith.addf %unpack3A, %unpack3A_302 : vector<16xf32>
      tpu.vector_store_idx %arg24[%add3A_306], %add3A_307 : memref<8704xf32, #tpu.memory_space<vmem>>[vector<16xi32>], vector<16xf32>,
      %scan3A_308 = arith.constant 1 : i32
      %scan3A_309 = arith.addi %scan3A_286, %scan3A_308 : i32
      %get3A_310 = arith.index_cast %scan3A_309 : i32 to index
      %get3A_311 = arith.constant 0 : index
      %get3A_312 = tpu.vector_load %arg21[%get3A_310, %get3A_311] {strides = array<i32>} : memref<512x32xbf16, #tpu.memory_space<vmem>>, vector<32xbf16>,
      %get3A_313 = arith.index_cast %scan3A_309 : i32 to index
      %get3A_314 = arith.constant 0 : index
      %get3A_315 = tpu.vector_load %arg22[%get3A_313, %get3A_314] {strides = array<i32>} : memref<512x64xbf16, #tpu.memory_space<vmem>>, vector<32xbf16>,
      %mul3A_316 = arith.mulf %get3A_312, %get3A_315 : vector<32xbf16>
      %get3A_317 = arith.index_cast %scan3A_309 : i32 to index
      %get3A_318 = arith.constant 32 : index
      %get3A_319 = tpu.vector_load %arg22[%get3A_317, %get3A_318] {strides = array<i32>} : memref<512x64xbf16, #tpu.memory_space<vmem>>, vector<32xbf16>,
      %get3A_320 = arith.index_cast %scan3A_309 : i32 to index
      %get3A_321 = arith.constant 0 : index
      %get3A_322 = tpu.vector_load %arg23[%get3A_320, %get3A_321] {strides = array<i32>} : memref<512x32xbf16, #tpu.memory_space<vmem>>, vector<32xbf16>,
      %mul3A_323 = arith.mulf %get3A_319, %get3A_322 : vector<32xbf16>
      %add3A_324 = arith.addf %mul3A_316, %mul3A_323 : vector<32xbf16>
      %unpack3A_325 = tpu.unpack_subelements %add3A_324, 0 {pack_format = #tpu.pack_format<interleaved>} : vector<32xbf16> -> vector<16xf32>
      %unpack3A_326 = tpu.unpack_subelements %add3A_324, 1 {pack_format = #tpu.pack_format<interleaved>} : vector<32xbf16> -> vector<16xf32>
      %mul3A_327 = arith.constant 17 : i32
      %mul3A_328 = arith.muli %scan3A_309, %mul3A_327 : i32
      %add3A_329 = vector.broadcast %mul3A_328 : i32 to vector<16xi32>
      %add3A_330 = arith.addi %add3A_329, %iota3A : vector<16xi32>
      %add3A_331 = arith.addf %unpack3A_325, %unpack3A_326 : vector<16xf32>
      tpu.vector_store_idx %arg24[%add3A_330], %add3A_331 : memref<8704xf32, #tpu.memory_space<vmem>>[vector<16xi32>], vector<16xf32>,
    }
    %scan3A_177 = arith.constant 128 : i32
    %dma_wait3A_178 = arith.constant 256 : i32
    %dma_wait3A_179 = arith.constant 0 : i32
    %dma_wait3A_180 = tpu.memref_slice %arg21[%dma_wait3A_178, %dma_wait3A_179] : memref<512x32xbf16, #tpu.memory_space<vmem>> -> memref<128x32xbf16, #tpu.memory_space<vmem>>
    %dma_wait3A_181 = arith.constant 256 : i32
    %dma_wait3A_182 = tpu.memref_slice %arg17[%dma_wait3A_181] : memref<512xi32, #tpu.memory_space<vmem>> -> memref<128xi32, #tpu.memory_space<vmem>>
    %dma_wait3A_183 = arith.constant 0 : i32
    %dma_wait3A_184 = arith.constant 0 : i32
    %dma_wait3A_185 = tpu.memref_slice %arg12[%dma_wait3A_183, %dma_wait3A_184] : memref<2000x32xbf16, #tpu.memory_space<hbm>> -> memref<2000x32xbf16, #tpu.memory_space<hbm>>
    tpu.wait_indirect_dma semaphore(%arg32 : memref<!tpu.dma_semaphore, #tpu.memory_space<semaphore_mem>>) src(%dma_wait3A_185 : memref<2000x32xbf16, #tpu.memory_space<hbm>>) dst(%dma_wait3A_180 : memref<128x32xbf16, #tpu.memory_space<vmem>>)
    %dma_wait3A_186 = arith.constant 256 : i32
    %dma_wait3A_187 = arith.constant 0 : i32
    %dma_wait3A_188 = tpu.memref_slice %arg22[%dma_wait3A_186, %dma_wait3A_187] : memref<512x64xbf16, #tpu.memory_space<vmem>> -> memref<128x64xbf16, #tpu.memory_space<vmem>>
    %dma_wait3A_189 = arith.constant 256 : i32
    %dma_wait3A_190 = tpu.memref_slice %arg15[%dma_wait3A_189] : memref<512xi32, #tpu.memory_space<vmem>> -> memref<128xi32, #tpu.memory_space<vmem>>
    %dma_wait3A_191 = arith.constant 0 : i32
    %dma_wait3A_192 = arith.constant 0 : i32
    %dma_wait3A_193 = tpu.memref_slice %arg11[%dma_wait3A_191, %dma_wait3A_192] : memref<1000x64xbf16, #tpu.memory_space<hbm>> -> memref<1000x64xbf16, #tpu.memory_space<hbm>>
    tpu.wait_indirect_dma semaphore(%arg32 : memref<!tpu.dma_semaphore, #tpu.memory_space<semaphore_mem>>) src(%dma_wait3A_193 : memref<1000x64xbf16, #tpu.memory_space<hbm>>) dst(%dma_wait3A_188 : memref<128x64xbf16, #tpu.memory_space<vmem>>)
    %dma_wait3A_194 = arith.constant 256 : i32
    %dma_wait3A_195 = arith.constant 0 : i32
    %dma_wait3A_196 = tpu.memref_slice %arg23[%dma_wait3A_194, %dma_wait3A_195] : memref<512x32xbf16, #tpu.memory_space<vmem>> -> memref<128x32xbf16, #tpu.memory_space<vmem>>
    %dma_wait3A_197 = arith.constant 256 : i32
    %dma_wait3A_198 = tpu.memref_slice %arg18[%dma_wait3A_197] : memref<512xi32, #tpu.memory_space<vmem>> -> memref<128xi32, #tpu.memory_space<vmem>>
    %dma_wait3A_199 = arith.constant 0 : i32
    %dma_wait3A_200 = arith.constant 0 : i32
    %dma_wait3A_201 = tpu.memref_slice %arg12[%dma_wait3A_199, %dma_wait3A_200] : memref<2000x32xbf16, #tpu.memory_space<hbm>> -> memref<2000x32xbf16, #tpu.memory_space<hbm>>
    tpu.wait_indirect_dma semaphore(%arg32 : memref<!tpu.dma_semaphore, #tpu.memory_space<semaphore_mem>>) src(%dma_wait3A_201 : memref<2000x32xbf16, #tpu.memory_space<hbm>>) dst(%dma_wait3A_196 : memref<128x32xbf16, #tpu.memory_space<vmem>>)
    %scan3A_202 = arith.constant 0 : i32
    %scan3A_203 = arith.constant 256 : i32
    %scan3A_204 = arith.constant 128 : i32
    %scan3A_205 = arith.addi %scan3A_203, %scan3A_204 : i32
    %scan3A_206 = arith.constant 2 : i32
    scf.for %scan3A_286 = %scan3A_203 to %scan3A_205 step %scan3A_206  : i32 {
      %get3A_287 = arith.index_cast %scan3A_286 : i32 to index
      %get3A_288 = arith.constant 0 : index
      %get3A_289 = tpu.vector_load %arg21[%get3A_287, %get3A_288] {strides = array<i32>} : memref<512x32xbf16, #tpu.memory_space<vmem>>, vector<32xbf16>,
      %get3A_290 = arith.index_cast %scan3A_286 : i32 to index
      %get3A_291 = arith.constant 0 : index
      %get3A_292 = tpu.vector_load %arg22[%get3A_290, %get3A_291] {strides = array<i32>} : memref<512x64xbf16, #tpu.memory_space<vmem>>, vector<32xbf16>,
      %mul3A_293 = arith.mulf %get3A_289, %get3A_292 : vector<32xbf16>
      %get3A_294 = arith.index_cast %scan3A_286 : i32 to index
      %get3A_295 = arith.constant 32 : index
      %get3A_296 = tpu.vector_load %arg22[%get3A_294, %get3A_295] {strides = array<i32>} : memref<512x64xbf16, #tpu.memory_space<vmem>>, vector<32xbf16>,
      %get3A_297 = arith.index_cast %scan3A_286 : i32 to index
      %get3A_298 = arith.constant 0 : index
      %get3A_299 = tpu.vector_load %arg23[%get3A_297, %get3A_298] {strides = array<i32>} : memref<512x32xbf16, #tpu.memory_space<vmem>>, vector<32xbf16>,
      %mul3A_300 = arith.mulf %get3A_296, %get3A_299 : vector<32xbf16>
      %add3A_301 = arith.addf %mul3A_293, %mul3A_300 : vector<32xbf16>
      %unpack3A = tpu.unpack_subelements %add3A_301, 0 {pack_format = #tpu.pack_format<interleaved>} : vector<32xbf16> -> vector<16xf32>
      %unpack3A_302 = tpu.unpack_subelements %add3A_301, 1 {pack_format = #tpu.pack_format<interleaved>} : vector<32xbf16> -> vector<16xf32>
      %mul3A_303 = arith.constant 17 : i32
      %mul3A_304 = arith.muli %scan3A_286, %mul3A_303 : i32
      %add3A_305 = vector.broadcast %mul3A_304 : i32 to vector<16xi32>
      %add3A_306 = arith.addi %add3A_305, %iota3A : vector<16xi32>
      %add3A_307 = arith.addf %unpack3A, %unpack3A_302 : vector<16xf32>
      tpu.vector_store_idx %arg24[%add3A_306], %add3A_307 : memref<8704xf32, #tpu.memory_space<vmem>>[vector<16xi32>], vector<16xf32>,
      %scan3A_308 = arith.constant 1 : i32
      %scan3A_309 = arith.addi %scan3A_286, %scan3A_308 : i32
      %get3A_310 = arith.index_cast %scan3A_309 : i32 to index
      %get3A_311 = arith.constant 0 : index
      %get3A_312 = tpu.vector_load %arg21[%get3A_310, %get3A_311] {strides = array<i32>} : memref<512x32xbf16, #tpu.memory_space<vmem>>, vector<32xbf16>,
      %get3A_313 = arith.index_cast %scan3A_309 : i32 to index
      %get3A_314 = arith.constant 0 : index
      %get3A_315 = tpu.vector_load %arg22[%get3A_313, %get3A_314] {strides = array<i32>} : memref<512x64xbf16, #tpu.memory_space<vmem>>, vector<32xbf16>,
      %mul3A_316 = arith.mulf %get3A_312, %get3A_315 : vector<32xbf16>
      %get3A_317 = arith.index_cast %scan3A_309 : i32 to index
      %get3A_318 = arith.constant 32 : index
      %get3A_319 = tpu.vector_load %arg22[%get3A_317, %get3A_318] {strides = array<i32>} : memref<512x64xbf16, #tpu.memory_space<vmem>>, vector<32xbf16>,
      %get3A_320 = arith.index_cast %scan3A_309 : i32 to index
      %get3A_321 = arith.constant 0 : index
      %get3A_322 = tpu.vector_load %arg23[%get3A_320, %get3A_321] {strides = array<i32>} : memref<512x32xbf16, #tpu.memory_space<vmem>>, vector<32xbf16>,
      %mul3A_323 = arith.mulf %get3A_319, %get3A_322 : vector<32xbf16>
      %add3A_324 = arith.addf %mul3A_316, %mul3A_323 : vector<32xbf16>
      %unpack3A_325 = tpu.unpack_subelements %add3A_324, 0 {pack_format = #tpu.pack_format<interleaved>} : vector<32xbf16> -> vector<16xf32>
      %unpack3A_326 = tpu.unpack_subelements %add3A_324, 1 {pack_format = #tpu.pack_format<interleaved>} : vector<32xbf16> -> vector<16xf32>
      %mul3A_327 = arith.constant 17 : i32
      %mul3A_328 = arith.muli %scan3A_309, %mul3A_327 : i32
      %add3A_329 = vector.broadcast %mul3A_328 : i32 to vector<16xi32>
      %add3A_330 = arith.addi %add3A_329, %iota3A : vector<16xi32>
      %add3A_331 = arith.addf %unpack3A_325, %unpack3A_326 : vector<16xf32>
      tpu.vector_store_idx %arg24[%add3A_330], %add3A_331 : memref<8704xf32, #tpu.memory_space<vmem>>[vector<16xi32>], vector<16xf32>,
    }
    %scan3A_207 = arith.constant 128 : i32
    %dma_wait3A_208 = arith.constant 384 : i32
    %dma_wait3A_209 = arith.constant 0 : i32
    %dma_wait3A_210 = tpu.memref_slice %arg21[%dma_wait3A_208, %dma_wait3A_209] : memref<512x32xbf16, #tpu.memory_space<vmem>> -> memref<128x32xbf16, #tpu.memory_space<vmem>>
    %dma_wait3A_211 = arith.constant 384 : i32
    %dma_wait3A_212 = tpu.memref_slice %arg17[%dma_wait3A_211] : memref<512xi32, #tpu.memory_space<vmem>> -> memref<128xi32, #tpu.memory_space<vmem>>
    %dma_wait3A_213 = arith.constant 0 : i32
    %dma_wait3A_214 = arith.constant 0 : i32
    %dma_wait3A_215 = tpu.memref_slice %arg12[%dma_wait3A_213, %dma_wait3A_214] : memref<2000x32xbf16, #tpu.memory_space<hbm>> -> memref<2000x32xbf16, #tpu.memory_space<hbm>>
    tpu.wait_indirect_dma semaphore(%arg33 : memref<!tpu.dma_semaphore, #tpu.memory_space<semaphore_mem>>) src(%dma_wait3A_215 : memref<2000x32xbf16, #tpu.memory_space<hbm>>) dst(%dma_wait3A_210 : memref<128x32xbf16, #tpu.memory_space<vmem>>)
    %dma_wait3A_216 = arith.constant 384 : i32
    %dma_wait3A_217 = arith.constant 0 : i32
    %dma_wait3A_218 = tpu.memref_slice %arg22[%dma_wait3A_216, %dma_wait3A_217] : memref<512x64xbf16, #tpu.memory_space<vmem>> -> memref<128x64xbf16, #tpu.memory_space<vmem>>
    %dma_wait3A_219 = arith.constant 384 : i32
    %dma_wait3A_220 = tpu.memref_slice %arg15[%dma_wait3A_219] : memref<512xi32, #tpu.memory_space<vmem>> -> memref<128xi32, #tpu.memory_space<vmem>>
    %dma_wait3A_221 = arith.constant 0 : i32
    %dma_wait3A_222 = arith.constant 0 : i32
    %dma_wait3A_223 = tpu.memref_slice %arg11[%dma_wait3A_221, %dma_wait3A_222] : memref<1000x64xbf16, #tpu.memory_space<hbm>> -> memref<1000x64xbf16, #tpu.memory_space<hbm>>
    tpu.wait_indirect_dma semaphore(%arg33 : memref<!tpu.dma_semaphore, #tpu.memory_space<semaphore_mem>>) src(%dma_wait3A_223 : memref<1000x64xbf16, #tpu.memory_space<hbm>>) dst(%dma_wait3A_218 : memref<128x64xbf16, #tpu.memory_space<vmem>>)
    %dma_wait3A_224 = arith.constant 384 : i32
    %dma_wait3A_225 = arith.constant 0 : i32
    %dma_wait3A_226 = tpu.memref_slice %arg23[%dma_wait3A_224, %dma_wait3A_225] : memref<512x32xbf16, #tpu.memory_space<vmem>> -> memref<128x32xbf16, #tpu.memory_space<vmem>>
    %dma_wait3A_227 = arith.constant 384 : i32
    %dma_wait3A_228 = tpu.memref_slice %arg18[%dma_wait3A_227] : memref<512xi32, #tpu.memory_space<vmem>> -> memref<128xi32, #tpu.memory_space<vmem>>
    %dma_wait3A_229 = arith.constant 0 : i32
    %dma_wait3A_230 = arith.constant 0 : i32
    %dma_wait3A_231 = tpu.memref_slice %arg12[%dma_wait3A_229, %dma_wait3A_230] : memref<2000x32xbf16, #tpu.memory_space<hbm>> -> memref<2000x32xbf16, #tpu.memory_space<hbm>>
    tpu.wait_indirect_dma semaphore(%arg33 : memref<!tpu.dma_semaphore, #tpu.memory_space<semaphore_mem>>) src(%dma_wait3A_231 : memref<2000x32xbf16, #tpu.memory_space<hbm>>) dst(%dma_wait3A_226 : memref<128x32xbf16, #tpu.memory_space<vmem>>)
    %scan3A_232 = arith.constant 0 : i32
    %scan3A_233 = arith.constant 384 : i32
    %scan3A_234 = arith.constant 128 : i32
    %scan3A_235 = arith.addi %scan3A_233, %scan3A_234 : i32
    %scan3A_236 = arith.constant 2 : i32
    scf.for %scan3A_286 = %scan3A_233 to %scan3A_235 step %scan3A_236  : i32 {
      %get3A_287 = arith.index_cast %scan3A_286 : i32 to index
      %get3A_288 = arith.constant 0 : index
      %get3A_289 = tpu.vector_load %arg21[%get3A_287, %get3A_288] {strides = array<i32>} : memref<512x32xbf16, #tpu.memory_space<vmem>>, vector<32xbf16>,
      %get3A_290 = arith.index_cast %scan3A_286 : i32 to index
      %get3A_291 = arith.constant 0 : index
      %get3A_292 = tpu.vector_load %arg22[%get3A_290, %get3A_291] {strides = array<i32>} : memref<512x64xbf16, #tpu.memory_space<vmem>>, vector<32xbf16>,
      %mul3A_293 = arith.mulf %get3A_289, %get3A_292 : vector<32xbf16>
      %get3A_294 = arith.index_cast %scan3A_286 : i32 to index
      %get3A_295 = arith.constant 32 : index
      %get3A_296 = tpu.vector_load %arg22[%get3A_294, %get3A_295] {strides = array<i32>} : memref<512x64xbf16, #tpu.memory_space<vmem>>, vector<32xbf16>,
      %get3A_297 = arith.index_cast %scan3A_286 : i32 to index
      %get3A_298 = arith.constant 0 : index
      %get3A_299 = tpu.vector_load %arg23[%get3A_297, %get3A_298] {strides = array<i32>} : memref<512x32xbf16, #tpu.memory_space<vmem>>, vector<32xbf16>,
      %mul3A_300 = arith.mulf %get3A_296, %get3A_299 : vector<32xbf16>
      %add3A_301 = arith.addf %mul3A_293, %mul3A_300 : vector<32xbf16>
      %unpack3A = tpu.unpack_subelements %add3A_301, 0 {pack_format = #tpu.pack_format<interleaved>} : vector<32xbf16> -> vector<16xf32>
      %unpack3A_302 = tpu.unpack_subelements %add3A_301, 1 {pack_format = #tpu.pack_format<interleaved>} : vector<32xbf16> -> vector<16xf32>
      %mul3A_303 = arith.constant 17 : i32
      %mul3A_304 = arith.muli %scan3A_286, %mul3A_303 : i32
      %add3A_305 = vector.broadcast %mul3A_304 : i32 to vector<16xi32>
      %add3A_306 = arith.addi %add3A_305, %iota3A : vector<16xi32>
      %add3A_307 = arith.addf %unpack3A, %unpack3A_302 : vector<16xf32>
      tpu.vector_store_idx %arg24[%add3A_306], %add3A_307 : memref<8704xf32, #tpu.memory_space<vmem>>[vector<16xi32>], vector<16xf32>,
      %scan3A_308 = arith.constant 1 : i32
      %scan3A_309 = arith.addi %scan3A_286, %scan3A_308 : i32
      %get3A_310 = arith.index_cast %scan3A_309 : i32 to index
      %get3A_311 = arith.constant 0 : index
      %get3A_312 = tpu.vector_load %arg21[%get3A_310, %get3A_311] {strides = array<i32>} : memref<512x32xbf16, #tpu.memory_space<vmem>>, vector<32xbf16>,
      %get3A_313 = arith.index_cast %scan3A_309 : i32 to index
      %get3A_314 = arith.constant 0 : index
      %get3A_315 = tpu.vector_load %arg22[%get3A_313, %get3A_314] {strides = array<i32>} : memref<512x64xbf16, #tpu.memory_space<vmem>>, vector<32xbf16>,
      %mul3A_316 = arith.mulf %get3A_312, %get3A_315 : vector<32xbf16>
      %get3A_317 = arith.index_cast %scan3A_309 : i32 to index
      %get3A_318 = arith.constant 32 : index
      %get3A_319 = tpu.vector_load %arg22[%get3A_317, %get3A_318] {strides = array<i32>} : memref<512x64xbf16, #tpu.memory_space<vmem>>, vector<32xbf16>,
      %get3A_320 = arith.index_cast %scan3A_309 : i32 to index
      %get3A_321 = arith.constant 0 : index
      %get3A_322 = tpu.vector_load %arg23[%get3A_320, %get3A_321] {strides = array<i32>} : memref<512x32xbf16, #tpu.memory_space<vmem>>, vector<32xbf16>,
      %mul3A_323 = arith.mulf %get3A_319, %get3A_322 : vector<32xbf16>
      %add3A_324 = arith.addf %mul3A_316, %mul3A_323 : vector<32xbf16>
      %unpack3A_325 = tpu.unpack_subelements %add3A_324, 0 {pack_format = #tpu.pack_format<interleaved>} : vector<32xbf16> -> vector<16xf32>
      %unpack3A_326 = tpu.unpack_subelements %add3A_324, 1 {pack_format = #tpu.pack_format<interleaved>} : vector<32xbf16> -> vector<16xf32>
      %mul3A_327 = arith.constant 17 : i32
      %mul3A_328 = arith.muli %scan3A_309, %mul3A_327 : i32
      %add3A_329 = vector.broadcast %mul3A_328 : i32 to vector<16xi32>
      %add3A_330 = arith.addi %add3A_329, %iota3A : vector<16xi32>
      %add3A_331 = arith.addf %unpack3A_325, %unpack3A_326 : vector<16xf32>
      tpu.vector_store_idx %arg24[%add3A_330], %add3A_331 : memref<8704xf32, #tpu.memory_space<vmem>>[vector<16xi32>], vector<16xf32>,
    }
    %scan3A_237 = arith.constant 128 : i32
    %dma_wait3A_238 = tpu.memref_slice %arg5[%mul3A_2] : memref<16384xf32, #tpu.memory_space<hbm>> -> memref<512xf32, #tpu.memory_space<hbm>>
    %dma_wait3A_239 = tpu.memref_slice %arg5[%mul3A_2] : memref<16384xf32, #tpu.memory_space<hbm>> -> memref<512xf32, #tpu.memory_space<hbm>>
    tpu.wait_dma2 semaphore(%arg35 : memref<!tpu.dma_semaphore, #tpu.memory_space<semaphore_mem>>) src(%dma_wait3A_239 : memref<512xf32, #tpu.memory_space<hbm>>) dst(%arg19 : memref<512xf32, #tpu.memory_space<vmem>>)
    %dma_wait3A_240 = tpu.memref_slice %arg6[%mul3A_2] : memref<16384xf32, #tpu.memory_space<hbm>> -> memref<512xf32, #tpu.memory_space<hbm>>
    %dma_wait3A_241 = tpu.memref_slice %arg6[%mul3A_2] : memref<16384xf32, #tpu.memory_space<hbm>> -> memref<512xf32, #tpu.memory_space<hbm>>
    tpu.wait_dma2 semaphore(%arg35 : memref<!tpu.dma_semaphore, #tpu.memory_space<semaphore_mem>>) src(%dma_wait3A_241 : memref<512xf32, #tpu.memory_space<hbm>>) dst(%arg20 : memref<512xf32, #tpu.memory_space<vmem>>)
    tpu.wait_dma2 semaphore(%arg35 : memref<!tpu.dma_semaphore, #tpu.memory_space<semaphore_mem>>) src(%arg8 : memref<1000xf32, #tpu.memory_space<hbm>>) dst(%arg25 : memref<1000xf32, #tpu.memory_space<vmem>>)
    tpu.wait_dma2 semaphore(%arg35 : memref<!tpu.dma_semaphore, #tpu.memory_space<semaphore_mem>>) src(%arg9 : memref<1000xf32, #tpu.memory_space<hbm>>) dst(%arg26 : memref<1000xf32, #tpu.memory_space<vmem>>)
    tpu.wait_dma2 semaphore(%arg35 : memref<!tpu.dma_semaphore, #tpu.memory_space<semaphore_mem>>) src(%arg10 : memref<1000xf32, #tpu.memory_space<hbm>>) dst(%arg27 : memref<1000xf32, #tpu.memory_space<vmem>>)
    tpu.wait_dma2 semaphore(%arg35 : memref<!tpu.dma_semaphore, #tpu.memory_space<semaphore_mem>>) src(%arg7 : memref<16xf32, #tpu.memory_space<hbm>>) dst(%arg28 : memref<16xf32, #tpu.memory_space<vmem>>)
    %mul3A_242 = arith.constant 17 : i32
    %mul3A_243 = vector.broadcast %mul3A_242 : i32 to vector<16xi32>
    %mul3A_244 = arith.muli %iota3A, %mul3A_243 : vector<16xi32>
    %get3A = arith.constant 0 : index
    %get3A_245 = tpu.vector_load %arg28[%get3A] {strides = array<i32>} : memref<16xf32, #tpu.memory_space<vmem>>, vector<16xf32>,
    %broadcast_in_dim3A = arith.constant 0.000000e+00 : f32
    %broadcast_in_dim3A_246 = vector.broadcast %broadcast_in_dim3A : f32 to vector<16xf32>
    %scan3A_247 = arith.constant 0 : i32
    %scan3A_248 = arith.constant 32 : i32
    %scan3A_249 = arith.addi %scan3A_247, %scan3A_248 : i32
    %scan3A_250 = arith.constant 1 : i32
    %scan3A_251 = scf.for %scan3A_286 = %scan3A_247 to %scan3A_249 step %scan3A_250 iter_args(%scan3A_287 = %broadcast_in_dim3A_246) -> (vector<16xf32>)  : i32 {
      %mul3A_288 = arith.constant 272 : i32
      %mul3A_289 = arith.muli %scan3A_286, %mul3A_288 : i32
      %add3A_290 = vector.broadcast %mul3A_289 : i32 to vector<16xi32>
      %add3A_291 = arith.addi %add3A_290, %mul3A_244 : vector<16xi32>
      %broadcast_in_dim3A_292 = arith.constant 0.000000e+00 : f32
      %broadcast_in_dim3A_293 = vector.broadcast %broadcast_in_dim3A_292 : f32 to vector<16xf32>
      %add3A_294 = arith.constant 0 : i32
      %add3A_295 = vector.broadcast %add3A_294 : i32 to vector<16xi32>
      %add3A_296 = arith.addi %add3A_291, %add3A_295 : vector<16xi32>
      %gather3A = tpu.vector_load_idx %arg24[%add3A_296] : memref<8704xf32, #tpu.memory_space<vmem>>[vector<16xi32>], vector<16xf32>,
      %add3A_297 = arith.addf %broadcast_in_dim3A_293, %gather3A : vector<16xf32>
      %add3A_298 = arith.constant 1 : i32
      %add3A_299 = vector.broadcast %add3A_298 : i32 to vector<16xi32>
      %add3A_300 = arith.addi %add3A_291, %add3A_299 : vector<16xi32>
      %gather3A_301 = tpu.vector_load_idx %arg24[%add3A_300] : memref<8704xf32, #tpu.memory_space<vmem>>[vector<16xi32>], vector<16xf32>,
      %add3A_302 = arith.addf %add3A_297, %gather3A_301 : vector<16xf32>
      %add3A_303 = arith.constant 2 : i32
      %add3A_304 = vector.broadcast %add3A_303 : i32 to vector<16xi32>
      %add3A_305 = arith.addi %add3A_291, %add3A_304 : vector<16xi32>
      %gather3A_306 = tpu.vector_load_idx %arg24[%add3A_305] : memref<8704xf32, #tpu.memory_space<vmem>>[vector<16xi32>], vector<16xf32>,
      %add3A_307 = arith.addf %add3A_302, %gather3A_306 : vector<16xf32>
      %add3A_308 = arith.constant 3 : i32
      %add3A_309 = vector.broadcast %add3A_308 : i32 to vector<16xi32>
      %add3A_310 = arith.addi %add3A_291, %add3A_309 : vector<16xi32>
      %gather3A_311 = tpu.vector_load_idx %arg24[%add3A_310] : memref<8704xf32, #tpu.memory_space<vmem>>[vector<16xi32>], vector<16xf32>,
      %add3A_312 = arith.addf %add3A_307, %gather3A_311 : vector<16xf32>
      %add3A_313 = arith.constant 4 : i32
      %add3A_314 = vector.broadcast %add3A_313 : i32 to vector<16xi32>
      %add3A_315 = arith.addi %add3A_291, %add3A_314 : vector<16xi32>
      %gather3A_316 = tpu.vector_load_idx %arg24[%add3A_315] : memref<8704xf32, #tpu.memory_space<vmem>>[vector<16xi32>], vector<16xf32>,
      %add3A_317 = arith.addf %add3A_312, %gather3A_316 : vector<16xf32>
      %add3A_318 = arith.constant 5 : i32
      %add3A_319 = vector.broadcast %add3A_318 : i32 to vector<16xi32>
      %add3A_320 = arith.addi %add3A_291, %add3A_319 : vector<16xi32>
      %gather3A_321 = tpu.vector_load_idx %arg24[%add3A_320] : memref<8704xf32, #tpu.memory_space<vmem>>[vector<16xi32>], vector<16xf32>,
      %add3A_322 = arith.addf %add3A_317, %gather3A_321 : vector<16xf32>
      %add3A_323 = arith.constant 6 : i32
      %add3A_324 = vector.broadcast %add3A_323 : i32 to vector<16xi32>
      %add3A_325 = arith.addi %add3A_291, %add3A_324 : vector<16xi32>
      %gather3A_326 = tpu.vector_load_idx %arg24[%add3A_325] : memref<8704xf32, #tpu.memory_space<vmem>>[vector<16xi32>], vector<16xf32>,
      %add3A_327 = arith.addf %add3A_322, %gather3A_326 : vector<16xf32>
      %add3A_328 = arith.constant 7 : i32
      %add3A_329 = vector.broadcast %add3A_328 : i32 to vector<16xi32>
      %add3A_330 = arith.addi %add3A_291, %add3A_329 : vector<16xi32>
      %gather3A_331 = tpu.vector_load_idx %arg24[%add3A_330] : memref<8704xf32, #tpu.memory_space<vmem>>[vector<16xi32>], vector<16xf32>,
      %add3A_332 = arith.addf %add3A_327, %gather3A_331 : vector<16xf32>
      %add3A_333 = arith.constant 8 : i32
      %add3A_334 = vector.broadcast %add3A_333 : i32 to vector<16xi32>
      %add3A_335 = arith.addi %add3A_291, %add3A_334 : vector<16xi32>
      %gather3A_336 = tpu.vector_load_idx %arg24[%add3A_335] : memref<8704xf32, #tpu.memory_space<vmem>>[vector<16xi32>], vector<16xf32>,
      %add3A_337 = arith.addf %add3A_332, %gather3A_336 : vector<16xf32>
      %add3A_338 = arith.constant 9 : i32
      %add3A_339 = vector.broadcast %add3A_338 : i32 to vector<16xi32>
      %add3A_340 = arith.addi %add3A_291, %add3A_339 : vector<16xi32>
      %gather3A_341 = tpu.vector_load_idx %arg24[%add3A_340] : memref<8704xf32, #tpu.memory_space<vmem>>[vector<16xi32>], vector<16xf32>,
      %add3A_342 = arith.addf %add3A_337, %gather3A_341 : vector<16xf32>
      %add3A_343 = arith.constant 10 : i32
      %add3A_344 = vector.broadcast %add3A_343 : i32 to vector<16xi32>
      %add3A_345 = arith.addi %add3A_291, %add3A_344 : vector<16xi32>
      %gather3A_346 = tpu.vector_load_idx %arg24[%add3A_345] : memref<8704xf32, #tpu.memory_space<vmem>>[vector<16xi32>], vector<16xf32>,
      %add3A_347 = arith.addf %add3A_342, %gather3A_346 : vector<16xf32>
      %add3A_348 = arith.constant 11 : i32
      %add3A_349 = vector.broadcast %add3A_348 : i32 to vector<16xi32>
      %add3A_350 = arith.addi %add3A_291, %add3A_349 : vector<16xi32>
      %gather3A_351 = tpu.vector_load_idx %arg24[%add3A_350] : memref<8704xf32, #tpu.memory_space<vmem>>[vector<16xi32>], vector<16xf32>,
      %add3A_352 = arith.addf %add3A_347, %gather3A_351 : vector<16xf32>
      %add3A_353 = arith.constant 12 : i32
      %add3A_354 = vector.broadcast %add3A_353 : i32 to vector<16xi32>
      %add3A_355 = arith.addi %add3A_291, %add3A_354 : vector<16xi32>
      %gather3A_356 = tpu.vector_load_idx %arg24[%add3A_355] : memref<8704xf32, #tpu.memory_space<vmem>>[vector<16xi32>], vector<16xf32>,
      %add3A_357 = arith.addf %add3A_352, %gather3A_356 : vector<16xf32>
      %add3A_358 = arith.constant 13 : i32
      %add3A_359 = vector.broadcast %add3A_358 : i32 to vector<16xi32>
      %add3A_360 = arith.addi %add3A_291, %add3A_359 : vector<16xi32>
      %gather3A_361 = tpu.vector_load_idx %arg24[%add3A_360] : memref<8704xf32, #tpu.memory_space<vmem>>[vector<16xi32>], vector<16xf32>,
      %add3A_362 = arith.addf %add3A_357, %gather3A_361 : vector<16xf32>
      %add3A_363 = arith.constant 14 : i32
      %add3A_364 = vector.broadcast %add3A_363 : i32 to vector<16xi32>
      %add3A_365 = arith.addi %add3A_291, %add3A_364 : vector<16xi32>
      %gather3A_366 = tpu.vector_load_idx %arg24[%add3A_365] : memref<8704xf32, #tpu.memory_space<vmem>>[vector<16xi32>], vector<16xf32>,
      %add3A_367 = arith.addf %add3A_362, %gather3A_366 : vector<16xf32>
      %add3A_368 = arith.constant 15 : i32
      %add3A_369 = vector.broadcast %add3A_368 : i32 to vector<16xi32>
      %add3A_370 = arith.addi %add3A_291, %add3A_369 : vector<16xi32>
      %gather3A_371 = tpu.vector_load_idx %arg24[%add3A_370] : memref<8704xf32, #tpu.memory_space<vmem>>[vector<16xi32>], vector<16xf32>,
      %add3A_372 = arith.addf %add3A_367, %gather3A_371 : vector<16xf32>
      %mul3A_373 = arith.constant 16 : i32
      %mul3A_374 = arith.muli %scan3A_286, %mul3A_373 : i32
      %get3A_375 = arith.index_cast %mul3A_374 : i32 to index
      %get3A_376 = tpu.vector_load %arg14[%get3A_375] {strides = array<i32>} : memref<512xi32, #tpu.memory_space<vmem>>, vector<16xi32>,
      %get3A_377 = arith.index_cast %mul3A_374 : i32 to index
      %get3A_378 = tpu.vector_load %arg15[%get3A_377] {strides = array<i32>} : memref<512xi32, #tpu.memory_space<vmem>>, vector<16xi32>,
      %gather3A_379 = tpu.vector_load_idx %arg25[%get3A_376] : memref<1000xf32, #tpu.memory_space<vmem>>[vector<16xi32>], vector<16xf32>,
      %gather3A_380 = tpu.vector_load_idx %arg26[%get3A_378] : memref<1000xf32, #tpu.memory_space<vmem>>[vector<16xi32>], vector<16xf32>,
      %gather3A_381 = tpu.vector_load_idx %arg27[%get3A_376] : memref<1000xf32, #tpu.memory_space<vmem>>[vector<16xi32>], vector<16xf32>,
      %add3A_382 = arith.addf %get3A_245, %gather3A_380 : vector<16xf32>
      %get3A_383 = arith.index_cast %mul3A_374 : i32 to index
      %get3A_384 = tpu.vector_load %arg19[%get3A_383] {strides = array<i32>} : memref<512xf32, #tpu.memory_space<vmem>>, vector<16xf32>,
      %mul3A_385 = arith.mulf %gather3A_381, %get3A_384 : vector<16xf32>
      %add3A_386 = arith.addf %add3A_382, %mul3A_385 : vector<16xf32>
      %add3A_387 = arith.addf %add3A_386, %gather3A_379 : vector<16xf32>
      %add3A_388 = arith.addf %add3A_387, %add3A_372 : vector<16xf32>
      %get3A_389 = arith.index_cast %mul3A_374 : i32 to index
      %get3A_390 = tpu.vector_load %arg20[%get3A_389] {strides = array<i32>} : memref<512xf32, #tpu.memory_space<vmem>>, vector<16xf32>,
      %sub3A_391 = arith.subf %add3A_388, %get3A_390 : vector<16xf32>
      %mul3A_392 = arith.mulf %sub3A_391, %sub3A_391 : vector<16xf32>
      %add3A_393 = arith.addf %scan3A_287, %mul3A_392 : vector<16xf32>
      scf.yield %add3A_393 : vector<16xf32>
    }
    %scan3A_252 = arith.constant 32 : i32
    %swap3A = arith.constant 0 : index
    %swap3A_253 = tpu.vector_load %arg29[%swap3A] {strides = array<i32>} : memref<16xf32, #tpu.memory_space<vmem>>, vector<16xf32>,
    tpu.vector_store %arg29[%swap3A], %scan3A_251 {strides = array<i32>} : memref<16xf32, #tpu.memory_space<vmem>>, vector<16xf32>,
    %jit3A = arith.constant 8 : i32
    %div3A = arith.divsi %add3A, %jit3A : i32
    %sign3A = arith.constant 0 : i32
    %sign3A_254 = arith.cmpi sgt, %add3A, %sign3A : i32
    %sign3A_255 = arith.extui %sign3A_254 : i1 to i32
    %sign3A_256 = arith.constant 0 : i32
    %sign3A_257 = arith.cmpi slt, %add3A, %sign3A_256 : i32
    %sign3A_258 = arith.extui %sign3A_257 : i1 to i32
    %sign3A_259 = arith.subi %sign3A_255, %sign3A_258 : i32
    %sign3A_260 = arith.constant 0 : i32
    %sign3A_261 = arith.cmpi sgt, %jit3A, %sign3A_260 : i32
    %sign3A_262 = arith.extui %sign3A_261 : i1 to i32
    %sign3A_263 = arith.constant 0 : i32
    %sign3A_264 = arith.cmpi slt, %jit3A, %sign3A_263 : i32
    %sign3A_265 = arith.extui %sign3A_264 : i1 to i32
    %sign3A_266 = arith.subi %sign3A_262, %sign3A_265 : i32
    %ne3A = arith.cmpi ne, %sign3A_259, %sign3A_266 : i32
    %rem3A = arith.remsi %add3A, %jit3A : i32
    %ne3A_267 = arith.constant 0 : i32
    %ne3A_268 = arith.cmpi ne, %rem3A, %ne3A_267 : i32
    %and3A = arith.andi %ne3A, %ne3A_268 : i1
    %sub3A = arith.constant 1 : i32
    %sub3A_269 = arith.subi %div3A, %sub3A : i32
    %select_n3A = arith.select %and3A, %sub3A_269, %div3A : i32
    %jit3A_270 = arith.constant 8 : i32
    %eq3A = arith.constant 0 : i32
    %eq3A_271 = arith.cmpi eq, %jit3A_270, %eq3A : i32
    %jit3A_272 = arith.constant 1 : i32
    %select_n3A_273 = arith.select %eq3A_271, %jit3A_272, %jit3A_270 : i32
    %rem3A_274 = arith.remsi %add3A, %select_n3A_273 : i32
    %ne3A_275 = arith.constant 0 : i32
    %ne3A_276 = arith.cmpi ne, %rem3A_274, %ne3A_275 : i32
    %lt3A = arith.constant 0 : i32
    %lt3A_277 = arith.cmpi slt, %rem3A_274, %lt3A : i32
    %lt3A_278 = arith.constant 0 : i32
    %lt3A_279 = arith.cmpi slt, %select_n3A_273, %lt3A_278 : i32
    %ne3A_280 = arith.xori %lt3A_277, %lt3A_279 : i1
    %and3A_281 = arith.andi %ne3A_280, %ne3A_276 : i1
    %add3A_282 = arith.addi %rem3A_274, %select_n3A_273 : i32
    %select_n3A_283 = arith.select %and3A_281, %add3A_282, %rem3A_274 : i32
    %mul3A_284 = arith.constant 16 : i32
    %mul3A_285 = arith.muli %select_n3A_283, %mul3A_284 : i32
    "tpu.region"() ({
      %run_scoped3A = tpu.sem_alloc : memref<!tpu.dma_semaphore, #tpu.memory_space<semaphore_mem>>
      %dma_start3A_286 = tpu.memref_slice %arg13[%select_n3A, %mul3A_285] : memref<8x128xf32, #tpu.memory_space<hbm>> -> memref<1x16xf32, #tpu.memory_space<hbm>>
      %dma_start3A_287 = tpu.memref_squeeze %dma_start3A_286 : memref<1x16xf32, #tpu.memory_space<hbm>> -> memref<16xf32, #tpu.memory_space<hbm>>
      %dma_start3A_288 = tpu.memref_slice %arg13[%select_n3A, %mul3A_285] : memref<8x128xf32, #tpu.memory_space<hbm>> -> memref<1x16xf32, #tpu.memory_space<hbm>>
      %dma_start3A_289 = tpu.memref_squeeze %dma_start3A_288 : memref<1x16xf32, #tpu.memory_space<hbm>> -> memref<16xf32, #tpu.memory_space<hbm>>
      tpu.enqueue_dma source(%arg29 : memref<16xf32, #tpu.memory_space<vmem>>) target(%dma_start3A_289 : memref<16xf32, #tpu.memory_space<hbm>>) target_semaphore(%run_scoped3A : memref<!tpu.dma_semaphore, #tpu.memory_space<semaphore_mem>>)
      %dma_wait3A_290 = tpu.memref_slice %arg13[%select_n3A, %mul3A_285] : memref<8x128xf32, #tpu.memory_space<hbm>> -> memref<1x16xf32, #tpu.memory_space<hbm>>
      %dma_wait3A_291 = tpu.memref_squeeze %dma_wait3A_290 : memref<1x16xf32, #tpu.memory_space<hbm>> -> memref<16xf32, #tpu.memory_space<hbm>>
      %dma_wait3A_292 = tpu.memref_slice %arg13[%select_n3A, %mul3A_285] : memref<8x128xf32, #tpu.memory_space<hbm>> -> memref<1x16xf32, #tpu.memory_space<hbm>>
      %dma_wait3A_293 = tpu.memref_squeeze %dma_wait3A_292 : memref<1x16xf32, #tpu.memory_space<hbm>> -> memref<16xf32, #tpu.memory_space<hbm>>
      tpu.wait_dma2 semaphore(%run_scoped3A : memref<!tpu.dma_semaphore, #tpu.memory_space<semaphore_mem>>) src(%arg29 : memref<16xf32, #tpu.memory_space<vmem>>) dst(%dma_wait3A_293 : memref<16xf32, #tpu.memory_space<hbm>>)
      tpu.yield
    }) : () -> ()
    return
  }
}

module attributes {stable_mosaic.version = 14 : i64} {
  func.func @body(%arg0: memref<8x128xf32, #tpu.memory_space<vmem>>, %arg1: memref<1x1xf32, #tpu.memory_space<vmem>>) attributes {dimension_semantics = [], scalar_prefetch = 0 : i64, scratch_operands = 0 : i64, tpu.core_type = #tpu.core_type<tc>} {
    %get3A = arith.constant 0 : index
    %get3A_0 = arith.constant 0 : index
    %get3A_1 = vector.load %arg0[%get3A, %get3A_0] : memref<8x128xf32, #tpu.memory_space<vmem>>, vector<4x128xf32>
    %reduce_sum3A = vector.shape_cast %get3A_1 : vector<4x128xf32> to vector<1x4x128xf32>
    %reduce_sum3A_2 = arith.constant dense<0.000000e+00> : vector<1xf32>
    %reduce_sum3A_3 = vector.multi_reduction <add>, %reduce_sum3A, %reduce_sum3A_2 [1, 2] : vector<1x4x128xf32> to vector<1xf32>
    %reduce_sum3A_4 = vector.shape_cast %reduce_sum3A_3 : vector<1xf32> to vector<1x1x1xf32>
    %reduce_sum3A_5 = vector.extract %reduce_sum3A_4[0, 0, 0] : f32 from vector<1x1x1xf32>
    %mul3A = arith.constant 5.000000e-01 : f32
    %mul3A_6 = arith.mulf %mul3A, %reduce_sum3A_5 : f32
    %mul3A_7 = arith.constant 6.10351563E-5 : f32
    %mul3A_8 = arith.mulf %mul3A_6, %mul3A_7 : f32
    %reshape3A = vector.broadcast %mul3A_8 : f32 to vector<1x1xf32>
    %swap3A = arith.constant 0 : index
    %swap3A_9 = arith.constant 0 : index
    %swap3A_10 = vector.load %arg1[%swap3A, %swap3A_9] : memref<1x1xf32, #tpu.memory_space<vmem>>, vector<1x1xf32>
    tpu.vector_store %arg1[%swap3A, %swap3A_9], %reshape3A {strides = array<i32>} : memref<1x1xf32, #tpu.memory_space<vmem>>, vector<1x1xf32>,
    return
  }
}

</mosaic_0001>

<sc_bundles>
// kernel: kernel.4.cloned.1.call-start
scs
__scs_entry_jumppad:
0x0: {  	(pc) =	sbr.rel $0x88, $3  }
0x1: {  	(tag) =	ssettag $0x0;
	lr =	simm.s32 $0x1  }
0x2: {  	[smem:$0x3F94] =	sst lr;
	_ =	strace $0xD0000000  }
0x3: {  	_ = 	snop  }
0x4: {  	_ = 	snop  }
0x5: {  	_ = 	snop  }
0x6: {  	_ = 	snop  }
0x7: {  	_ = 	snop  }
__scs_overlays_trampoline_lowered:
0x8: {  	[smem:$0x3FA3] =	sst s0  }
0x9: {  	[smem:$0x3FA4] =	sst s1  }
0xa: {  	[smem:$0x3FA5] =	sst s2  }
0xb: {  	[smem:$0x3FA6] =	sst s3  }
0xc: {  	[smem:$0x3FA7] =	sst s4  }
0xd: {  	[smem:$0x3FA8] =	sst s5  }
0xe: {  	[smem:$0x3FA9] =	sst s6  }
0xf: {  	[smem:$0x3FAA] =	sst s7  }
0x10: {  	[smem:$0x3FAB] =	sst s8  }
0x11: {  	[smem:$0x3FAC] =	sst s9;
	s0 =	simm.s32 @!p0 $0x0  }
0x12: {  	s1 =	sld [smem:$0x3F92];
	s0 =	simm.s32 @p0 $0x1  }
0x13: {  	[smem:$0x3FAD] =	sst s0;
	s0 =	simm.s32 @!p1 $0x0  }
0x14: {  	s2 =	sld [smem:$0x3F91];
	s0 =	simm.s32 @p1 $0x1  }
0x15: {  	[smem:$0x3FAE] =	sst s0;
	s0 =	simm.s32 @!p2 $0x0  }
0x16: {  	s3 =	sld [smem:$0x3FDB];
	s0 =	simm.s32 @p2 $0x1  }
0x17: {  	s4 =	simm.s32 $0x1BF5;
	[smem:$0x3FB0] =	sst s0  }
0x18: {  	s0 =	sld [smem:$0x3F93];
	_ =	swait.ge [sflag:s4], $0x0  }
0x19: {  	s7 =	sld [smem:$0x3F94]  }
0x1a: {  	s8 =	sadd.s32 $0xFFFFE003, lr  }
0x1b: {  	s9 =	sadd.s32 $0xFFFFFEF7, lr;
	s5 =	simm.s32 $0xFFFFFFFF;
	p2 =	slt.u32 s8, $0xFFFFF086  }
0x1c: {  	p1 =	slt.u32 s9, $0xF7A;
	s5 =	simm.s32 @!p2 $0x0  }
0x1d: {  	s5 =	simm.s32 @p1 $0x1;
	p0 =	seq.s32 s7, s2  }
0x1e: {  	s7 =	smul.u32 @!p0 $0xF7A, s2;
	p2 =	seq.s32 @!p0 s5, $0x0  }
0x1f: {  	s9 =	smul.u32 $0xF7A, s1;
	s8 =	simm.s32 @!p0 $0x1BF5;
	p2 =	por !p2, p0  }
0x20: {  	[sflag:s8] =	ssyncset.s32 @!p0 $0xFFFFF086;
	s6 =	sadd.s32 @!p0 s3, s7;
	s7 =	simm.s32 @!p0 $0x108  }
0x21: {  	s3 =	sadd.s32 s3, s9;
	s6 =	sadd.s32 @!p0 $0x88, s6;
	s7 =	simm.s32 @p2 $0x1082  }
0x22: {  	[simem:s7], [sflag:s8] =	dma.local @!p0 [hbm:s6], $0xF7A  }
0x23: {  	s9 =	sor.u32 $0xD0000000, s2;
	s6 =	simm.s32 $0x108;
	_ =	swait.ge @!p0 [sflag:s8], $0x0  }
0x24: {  	s3 =	sadd.s32 $0x88, s3;
	s6 =	simm.s32 @!p1 $0x1082;
	[sflag:s4] =	ssyncset.s32 $0xFFFFF086  }
0x25: {  	[simem:s6], [sflag:s4] =	dma.local [hbm:s3], $0xF7A  }
0x26: {  	[smem:$0x3F94] =	sst s1;
	(tag) =	ssettag s2;
	_ =	strace s9  }
0x27: {  	s1 =	sld [smem:$0x3FA4]  }
0x28: {  	s2 =	sld [smem:$0x3FA5]  }
0x29: {  	s4 =	sld [smem:$0x3FA7]  }
0x2a: {  	p0 =	seq.s32 s5, $0x0;
	s5 =	sld [smem:$0x3FA8]  }
0x2b: {  	s6 =	sld [smem:$0x3FA9]  }
0x2c: {  	s7 =	sld [smem:$0x3FAA]  }
0x2d: {  	s3 =	simm.s32 $0x108;
	s8 =	sld [smem:$0x3FAB]  }
0x2e: {  	s3 =	simm.s32 @!p0 $0x1082;
	s9 =	sld [smem:$0x3FAC]  }
0x2f: {  	lr =	sadd.s32 s0, s3;
	s0 =	sld [smem:$0x3FA3]  }
0x30: {  	s3 =	sld [smem:$0x3FA6]  }
0x31: {  	[smem:$0x3FAF] =	sst s10  }
0x32: {  	s10 =	sld [smem:$0x3FAD];
	_ =	sdelay $0x3  }
0x33: {  	p0 =	seq.s32 s10, $0x1;
	s10 =	sld [smem:$0x3FAF];
	_ =	sdelay $0x3  }
0x34: {  	[smem:$0x3FAF] =	sst s10  }
0x35: {  	s10 =	sld [smem:$0x3FAE];
	_ =	sdelay $0x3  }
0x36: {  	p1 =	seq.s32 s10, $0x1;
	s10 =	sld [smem:$0x3FAF];
	_ =	sdelay $0x3  }
0x37: {  	[smem:$0x3FAF] =	sst s10  }
0x38: {  	s10 =	sld [smem:$0x3FB0]  }
0x39: {  	_ = 	snop;
	(pc) =	sbr.ind lr, $3  }
0x3a: {  	_ = 	snop  }
0x3b: {  	_ = 	snop  }
0x3c: {  	p2 =	seq.s32 s10, $0x1;
	s10 =	sld [smem:$0x3FAF]  }
0x3d: {  	_ =	shalt  }
0x3e: {  	_ =	shalt  }
0x3f: {  	_ =	shalt  }
0x40: {  	_ =	shalt  }
0x41: {  	_ =	shalt  }
0x42: {  	_ =	shalt  }
0x43: {  	_ =	shalt  }
0x44: {  	_ =	shalt  }
0x45: {  	_ =	shalt  }
0x46: {  	_ =	shalt  }
0x47: {  	_ =	shalt  }
0x48: {  	_ =	shalt  }
0x49: {  	_ =	shalt  }
0x4a: {  	_ =	shalt  }
0x4b: {  	_ =	shalt  }
0x4c: {  	_ =	shalt  }
0x4d: {  	_ =	shalt  }
0x4e: {  	_ =	shalt  }
0x4f: {  	_ =	shalt  }
0x50: {  	_ =	shalt  }
0x51: {  	_ =	shalt  }
0x52: {  	_ =	shalt  }
0x53: {  	_ =	shalt  }
0x54: {  	_ =	shalt  }
0x55: {  	_ =	shalt  }
0x56: {  	_ =	shalt  }
0x57: {  	_ =	shalt  }
0x58: {  	_ =	shalt  }
0x59: {  	_ =	shalt  }
0x5a: {  	_ =	shalt  }
0x5b: {  	_ =	shalt  }
0x5c: {  	_ =	shalt  }
0x5d: {  	_ =	shalt  }
0x5e: {  	_ =	shalt  }
0x5f: {  	_ =	shalt  }
0x60: {  	_ =	shalt  }
0x61: {  	_ =	shalt  }
0x62: {  	_ =	shalt  }
0x63: {  	_ =	shalt  }
0x64: {  	_ =	shalt  }
0x65: {  	_ =	shalt  }
0x66: {  	_ =	shalt  }
0x67: {  	_ =	shalt  }
0x68: {  	_ =	shalt  }
0x69: {  	_ =	shalt  }
0x6a: {  	_ =	shalt  }
0x6b: {  	_ =	shalt  }
0x6c: {  	_ =	shalt  }
0x6d: {  	_ =	shalt  }
0x6e: {  	_ =	shalt  }
0x6f: {  	_ =	shalt  }
0x70: {  	_ =	shalt  }
0x71: {  	_ =	shalt  }
0x72: {  	_ =	shalt  }
0x73: {  	_ =	shalt  }
0x74: {  	_ =	shalt  }
0x75: {  	_ =	shalt  }
0x76: {  	_ =	shalt  }
0x77: {  	_ =	shalt  }
0x78: {  	_ =	shalt  }
0x79: {  	_ =	shalt  }
0x7a: {  	_ =	shalt  }
0x7b: {  	_ =	shalt  }
0x7c: {  	_ =	shalt  }
0x7d: {  	_ =	shalt  }
0x7e: {  	_ =	shalt  }
0x7f: {  	_ =	shalt  }
0x80: {  	_ =	shalt  }
0x81: {  	_ =	shalt  }
0x82: {  	_ =	shalt  }
0x83: {  	_ =	shalt  }
0x84: {  	_ =	shalt  }
0x85: {  	_ =	shalt  }
0x86: {  	_ =	shalt  }
0x87: {  	_ =	shalt  }
.Lfunc_end0:
.L_simem_size_0:
called_computation_lowered:
.L_overlay_start_0:
0x88: {  	s2 =	sld [smem:$0x3FD9]  }
0x89: {  	s3 =	sld [smem:$0x3FFE];
	_ =	sdelay $0x1  }
0x8a: {  	s1 =	srdreg.scid  }
0x8b: {  	s0 =	sand.u32 $0x1, s1  }
0x8c: {  	s17 =	sshll.u32 s0, $0xA;
	s2 =	sadd.s32 s3, s2  }
0x8d: {  	s2 =	sadd.s32 s2, s17  }
0x8e: {  	[smem:$0x3FBB] =	sst s2  }
0x8f: {  	_ = 	snop  }
0x90: {  	s2 =	sld [smem:$0x3FC9]  }
0x91: {  	s18 =	sld [smem:$0x3FC8]  }
0x92: {  	s4 =	sld [smem:$0x3FC7]  }
0x93: {  	s5 =	sld [smem:$0x3FC6]  }
0x94: {  	s6 =	sld [smem:$0x3FC5]  }
0x95: {  	s7 =	sld [smem:$0x3FC3]  }
0x96: {  	s8 =	sld [smem:$0x3FC2]  }
0x97: {  	s9 =	sld [smem:$0x3FC1]  }
0x98: {  	s10 =	sld [smem:$0x3FD0];
	(tm) =	ssettm $0x1  }
0x99: {  	s11 =	sld [smem:$0x3FFB];
	_ =	sdelay $0x3  }
0x9a: {  	_ =	strace s11  }
0x9b: {  	s11 =	sld [smem:$0x3FFC];
	_ =	sdelay $0x3  }
0x9c: {  	_ =	strace s11  }
0x9d: {  	s11 =	sld [smem:$0x3FFD];
	_ =	sdelay $0x3  }
0x9e: {  	_ =	strace s11  }
0x9f: {  	_ =	strace $0x8FFFFFFF  }
0xa0: {  	s19 =	sld [smem:$0x3FDB];
	_ =	sdelay $0x1  }
0xa1: {  	s12 =	simm.s32 $_scs_section_size  }
0xa2: {  	s13 =	simm.s32 $_size__tile_overlayer_lowered;
	s14 =	simm.s32 $_tile_overlayer_lowered  }
0xa3: {  	s22 =	simm.s32 $0x1BFF;
	s21 =	sshll.u32 s14, $0x1;
	s11 =	sadd.s32 s12, s19  }
0xa4: {  	s15 =	simm.s32 $0x0;
	s20 =	sshll.u32 s13, $0x1;
	s13 =	sadd.s32 s21, s11  }
0xa5: {  	[timem:s15], [sflag:s22] =	dma.local [hbm:s13], s20  }
0xa6: {  	_ =	swait.ge [sflag:s22], s20  }
0xa7: {  	s12 =	ssub.s32 $0x0, s20;
	[sflag:s22] =	ssyncset.done $0x0  }
0xa8: {  	[sflag:s22] =	ssyncadd.s32 s12;
	_ =	sdelay $0x1  }
0xa9: {  	s23 =	simm.s32 $0x1B8B  }
0xaa: {  	_ =	swait.ge [sflag:s23], $0x1  }
0xab: {  	[sflag:s23] =	ssyncset.done $0x0  }
0xac: {  	s25 =	simm.s32 $0x1B8E;
	s24 =	sld [smem:$0x3FFE];
	[sflag:s23] =	ssyncadd.s32 $0xFFFFFFFF  }
0xad: {  	s26 =	simm.s32 $execute0_lowered;
	[smem:$0x3FD2] =	sst s25  }
0xae: {  	s13 =	sshll.u32 s26, $0x1;
	_ =	strace $0x80000046;
	[dreg:$0x1] =	wrdreg $0xFFFFFFFF  }
0xaf: {  	s28 =	simm.s32 $_size_execute0_lowered;
	s11 =	sadd.s32 s11, s13;
	[dreg:$0x0] =	wrdreg $0x0  }
0xb0: {  	s13 =	sshll.u32 s28, $0x1;
	[dreg:$0x2] =	wrdreg s11  }
0xb1: {  	[dreg:$0x3] =	wrdreg s13  }
0xb2: {  	[dreg:$0x4] =	wrdreg $0xC0  }
0xb3: {  	_ =	task [dreg:s15], $0x5FFFF  }
0xb4: {  	[dreg:$0x1] =	wrdreg $0xFFFFFFFF  }
0xb5: {  	[dreg:$0x0] =	wrdreg $0x60  }
0xb6: {  	[dreg:$0x2] =	wrdreg s2  }
0xb7: {  	[dreg:$0x3] =	wrdreg s18  }
0xb8: {  	[dreg:$0x4] =	wrdreg s4  }
0xb9: {  	[dreg:$0x5] =	wrdreg s5  }
0xba: {  	[dreg:$0x6] =	wrdreg s6  }
0xbb: {  	[dreg:$0x7] =	wrdreg s10  }
0xbc: {  	[dreg:$0x8] =	wrdreg s7  }
0xbd: {  	[dreg:$0x9] =	wrdreg s8  }
0xbe: {  	[dreg:$0xa] =	wrdreg s9  }
0xbf: {  	[dreg:$0xb] =	wrdreg s24  }
0xc0: {  	[dreg:$0xc] =	wrdreg $0x9  }
0xc1: {  	_ =	task.clear_ibuf [dreg:s15], $0xDFFFF;
	_ =	strace $0x90000046  }
0xc2: {  	s29 =	simm.s32 $0x9;
	_ =	strace $0x80000048  }
0xc3: {  	_ =	swait.ge [sflag:s29], $0x1  }
0xc4: {  	[sflag:s29] =	ssyncadd.s32 $0xFFFFFFFF  }
0xc5: {  	_ =	strace $0x90000048  }
0xc6: {  	_ =	sfence  }
0xc7: {  	s30 =	sld [smem:$0x0];
	_ =	sdelay $0x2  }
0xc8: {  	s31 =	sshll.u32 s1, $0xD;
	s1 =	sshrl.u32 s1, $0x2  }
0xc9: {  	s3 =	sand.u32 $0x4000, s31;
	s1 =	sadd.s32 s1, s30  }
0xca: {  	s0 =	sor.u32 s3, s0;
	s1 =	sshll.u32 s1, $0x11  }
0xcb: {  	s0 =	sor.u32 s1, s0  }
0xcc: {  	s0 =	sadd.s32 $0x8F2B, s0  }
0xcd: {  	[sflag:s0] =	ssyncadd.remote.s32 $0x1  }
0xce: {  	_ =	sfence.sel $0xFFFF  }
0xcf: {  	[dreg:$0x0] =	wrdreg $0xFFFFFFFF;
	(pc) =	sbr.abs _section_cstart, $3  }
0xd0: {  	[dreg:$0x1] =	wrdreg $0xFFFFFFFF  }
0xd1: {  	_ =	task.clear_ibuf [dreg:s15], $0x2FFFF;
	_ =	strace $0x9FFFFFFF  }
0xd2: {  	(tm) =	ssettm $0x7FFFFFFF  }
0xd3: {  	_ =	shalt  }
tec
execute0_lowered:
.L_overlay_start_1:
0x0: {  	(tag) =	ssettag $0x1  }
0x1: {  	s0 =	rddreg [dreg:$0x0]  }
0x2: {  	s1 =	rddreg [dreg:$0x1]  }
0x3: {  	s2 =	rddreg [dreg:$0x2]  }
0x4: {  	s3 =	rddreg [dreg:$0x3]  }
0x5: {  	s4 =	rddreg [dreg:$0x4]  }
0x6: {  	s5 =	rddreg [dreg:$0x9];
	s16 =	simm.s32 $0x200;
	s20 =	simm.s32 $0xB000  }
0x7: {  	s6 =	simm.s32 $0x0;
	v0 =	vlaneseq.u32;
	s21 =	simm.s32 $0xB3E8;
	v3 =	vimm.s32 $0x7654321;
	s22 =	simm.s32 $0xB7D0;
	v5 =	vimm.s32 $0x10765432  }
0x8: {  	s12 =	stileid.u32;
	s9 =	srdreg.scid;
	s24 =	simm.s32 $0x5;
	v7 =	vimm.s32 $0x21076543;
	v9 =	vimm.s32 $0x32107654;
	v11 =	vimm.s32 $0x43210765  }
0x9: {  	s25 =	simm.s32 $0x80;
	v13 =	vimm.s32 $0x65432107;
	s17 =	simm.s32 $0x3;
	s18 =	simm.s32 $0x4;
	v1 =	vmul.u32 $0x11, v0;
	v2 =	vand.u32 $0x7, v0  }
0xa: {  	s19 =	simm.s32 $0x6;
	s26 =	simm.s32 $0x7;
	s28 =	simm.s32 $0x0;
	v4 =	vunpack.c.l.s4.s8 v3;
	v6 =	vunpack.c.l.s4.s8 v5;
	v8 =	vunpack.c.l.s4.s8 v7  }
0xb: {  	[smem:$0x7FF] =	sst s6;
	s7 =	sadd.s32 $0xC00, s5;
	s8 =	sadd.s32 $0x1C00, s5;
	v10 =	vunpack.c.l.s4.s8 v9;
	v12 =	vunpack.c.l.s4.s8 v11;
	v11 =	vimm.s32 $0x54321076  }
0xc: {  	s10 =	sshll.u32 s12, $0x2;
	s9 =	sand.u32 $0x1, s9;
	s12 =	sshll.u32 s12, $0x1;
	v16 =	vunpack.c.l.s4.s8 v13;
	v14 =	vunpack.c.l.s4.s8 v11;
	v3 =	vadd.s32 $0x1, v1  }
0xd: {  	_ =	strace $0x80000047;
	s10 =	sand.u32 $0x30, s10;
	s11 =	ssub.s32 $0x2, s9;
	v4 =	vunpack.c.0.s8.s32 v4;
	v5 =	vadd.s32 $0x2, v1;
	v6 =	vunpack.c.0.s8.s32 v6  }
0xe: {  	s9 =	sor.u32 s9, s12;
	s5 =	sadd.s32 s10, s5;
	s29 =	sshrl.u32 s11, $0x1;
	v7 =	vadd.s32 $0x3, v1;
	v8 =	vunpack.c.0.s8.s32 v8;
	v9 =	vadd.s32 $0x4, v1  }
0xf: {  	s13 =	sshll.u32 s9, $0x6;
	s30 =	sshll.u32 s9, $0x1;
	v10 =	vunpack.c.0.s8.s32 v10;
	v11 =	vadd.s32 $0x5, v1;
	v12 =	vunpack.c.0.s8.s32 v12;
	s15 =	ssub.s32 s11, s29  }
0x10: {  	v13 =	vadd.s32 $0x6, v1;
	v15 =	vadd.s32 $0x7, v1;
	v16 =	vunpack.c.0.s8.s32 v16;
	s9 =	sadd.s32 s0, s13;
	s10 =	sadd.s32 s1, s13;
	s31 =	sand.u32 $0xE, s30  }
0x11: {  	v17 =	vadd.s32 $0x8, v1;
	v18 =	vadd.s32 $0x9, v1;
	v19 =	vadd.s32 $0xA, v1;
	s11 =	sadd.s32 s2, s13;
	s12 =	sadd.s32 s3, s13;
	s13 =	sadd.s32 s4, s13  }
0x12: {  	v20 =	vadd.s32 $0xB, v1;
	v21 =	vadd.s32 $0xC, v1;
	v22 =	vadd.s32 $0xD, v1;
	s2 =	simm.s32 $0x1;
	s3 =	simm.s32 $0x8E00;
	s0 =	sadd.s32 s31, s5  }
0x13: {  	v23 =	vadd.s32 $0xE, v1;
	v24 =	vadd.s32 $0xF, v1;
	v14 =	vunpack.c.0.s8.s32 v14;
	s4 =	simm.s32 $0x2;
	s15 =	smax.u32 s15, $0x1;
	s14 =	sadd.s32 $0x2C00, s0  }
.LBB2_1:
0x14: {  	[tilespmem:s6], [sflag:$0x5] =	stream.linear.gather [hbm4b:s9+s6], $0x200, $0x38;
	[tilespmem:$0xBBD8] =	vst v63  }
0x15: {  	_ = 	snop  }
0x16: {  	[tilespmem:s16], [sflag:$0x5] =	stream.linear.gather [hbm4b:s10+s6], $0x200, $0x38;
	[tilespmem:$0xBBD8] =	vst v63  }
0x17: {  	s0 =	simm.s32 $0x400  }
0x18: {  	[tilespmem:s0], [sflag:$0x5] =	stream.linear.gather [hbm4b:s11+s6], $0x200, $0x38;
	[tilespmem:$0xBBD8] =	vst v63  }
0x19: {  	s23 =	simm.s32 $0xA00  }
0x1a: {  	[tilespmem:s23], [sflag:$0x6] =	stream.linear.gather [hbm4b:s12+s6], $0x200, $0x38;
	[tilespmem:$0xBBD8] =	vst v63  }
0x1b: {  	s31 =	simm.s32 $0xC00  }
0x1c: {  	[tilespmem:s31], [sflag:$0x6] =	stream.linear.gather [hbm4b:s13+s6], $0x200, $0x38;
	[tilespmem:$0xBBD8] =	vst v63  }
0x1d: {  	s1 =	rddreg [dreg:$0x6]  }
0x1e: {  	[tilespmem:s20], [sflag:$0x6] =	stream.linear.gather [hbm4b:s1+s6], $0x3E8, $0x38;
	[tilespmem:$0xBBD8] =	vst v63  }
0x1f: {  	s5 =	rddreg [dreg:$0x7]  }
0x20: {  	[tilespmem:s21], [sflag:$0x6] =	stream.linear.gather [hbm4b:s5+s6], $0x3E8, $0x38;
	[tilespmem:$0xBBD8] =	vst v63  }
0x21: {  	s23 =	rddreg [dreg:$0x8]  }
0x22: {  	[tilespmem:s22], [sflag:$0x6] =	stream.linear.gather [hbm4b:s23+s6], $0x3E8, $0x38;
	[tilespmem:$0xBBD8] =	vst v63  }
0x23: {  	s31 =	rddreg [dreg:$0x5];
	s1 =	simm.s32 $0xBBB8  }
0x24: {  	[tilespmem:s1], [sflag:$0x6] =	stream.linear.gather [hbm4b:s31+s6], $0x10, $0x38;
	[tilespmem:$0xBBD8] =	vst v63  }
0x25: {  	_ =	swait.ge [sflag:s24], $0x200  }
0x26: {  	[sflag:s24] =	ssyncset.done $0x0  }
0x27: {  	[sflag:s24] =	ssyncadd.s32 $0xFFFFFE00  }
0x28: {  	_ =	swait.ge [sflag:s24], $0x200  }
0x29: {  	[sflag:s24] =	ssyncset.done $0x0  }
0x2a: {  	[sflag:s24] =	ssyncadd.s32 $0xFFFFFE00  }
0x2b: {  	_ =	swait.ge [sflag:s24], $0x200  }
0x2c: {  	[sflag:s24] =	ssyncset.done $0x0  }
0x2d: {  	s0 =	simm.s32 $0x10;
	[sflag:s24] =	ssyncadd.s32 $0xFFFFFE00  }
0x2e: {  	s1 =	simm.s32 $0x410;
	v25 =	vld [tilespmem:s0+$0xFFFFFFF0]  }
0x2f: {  	v26 =	vld [tilespmem:s1+$0xFFFFFFF0];
	_ =	sdelay $0x4  }
0x30: {  	s29 =	simm.s32 $0x610;
	v25 =	vshll.u32 v25, $0x1;
	v26 =	vshll.u32 v26, $0x1  }
0x31: {  	s5 =	simm.s32 $0x810;
	[tilespmem:s29+$0xFFFFFFF0] =	vst v25;
	v25 =	vor.u32 $0x1, v26  }
0x32: {  	[tilespmem:s5+$0xFFFFFFF0] =	vst v25  }
0x33: {  	v25 =	vld [tilespmem:s0+$0x0]  }
0x34: {  	v26 =	vld [tilespmem:s1+$0x0];
	_ =	sdelay $0x3  }
0x35: {  	v25 =	vshll.u32 v25, $0x1  }
0x36: {  	s30 =	simm.s32 $0x830;
	s23 =	simm.s32 $0x0;
	[tilespmem:s29+$0x0] =	vst v25;
	v25 =	vshll.u32 v26, $0x1;
	s29 =	simm.s32 $0x630  }
.LBB2_2:
0x37: {  	s23 =	sadd.s32 $0x2, s23;
	v25 =	vor.u32 $0x1, v25;
	s0 =	sadd.s32 $0x20, s0;
	s1 =	sadd.s32 $0x20, s1  }
0x38: {  	p0 =	slt.u32 s23, $0x1E;
	[tilespmem:s5+$0x0] =	vst v25;
	s5 =	smov.u32 s30  }
0x39: {  	v25 =	vld [tilespmem:s0+$0xFFFFFFF0]  }
0x3a: {  	v26 =	vld [tilespmem:s1+$0xFFFFFFF0];
	_ =	sdelay $0x3  }
0x3b: {  	v25 =	vshll.u32 v25, $0x1  }
0x3c: {  	v26 =	vshll.u32 v26, $0x1  }
0x3d: {  	[tilespmem:s29+$0xFFFFFFF0] =	vst v25;
	v25 =	vor.u32 $0x1, v26  }
0x3e: {  	[tilespmem:s30+$0xFFFFFFF0] =	vst v25  }
0x3f: {  	v25 =	vld [tilespmem:s0+$0x0]  }
0x40: {  	v26 =	vld [tilespmem:s1+$0x0]  }
.Ltmp0:
0x41: {  	(pc) =	sbr.rel @p0 .LBB2_2-.Ltmp0, $3  }
0x42: {  	_ =	sdelay $0x1  }
0x43: {  	v25 =	vshll.u32 v25, $0x1  }
0x44: {  	s30 =	sadd.s32 $0x20, s30;
	[tilespmem:s29+$0x0] =	vst v25;
	v25 =	vshll.u32 v26, $0x1;
	s29 =	sadd.s32 $0x20, s29  }
0x45: {  	v25 =	vor.u32 $0x1, v25  }
0x46: {  	s0 =	simm.s32 $0x600;
	s1 =	simm.s32 $0xE00;
	[tilespmem:s5+$0x0] =	vst v25  }
0x47: {  	[tilespmem:s1], [sflag:$0x1] =	stream.indirect.gather [hbm4b:s8+s25], $0x10, s0, s25, $0xb8;
	[tilespmem:$0xBBD8] =	vst v63  }
0x48: {  	s23 =	simm.s32 $0x2E00  }
0x49: {  	[tilespmem:s23], [sflag:$0x1] =	stream.indirect.gather [hbm4b:s7+s25], $0x20, s16, s25, $0xb8;
	[tilespmem:$0xBBD8] =	vst v63  }
0x4a: {  	s30 =	simm.s32 $0x800;
	s31 =	simm.s32 $0x6E00  }
0x4b: {  	[tilespmem:s31], [sflag:$0x1] =	stream.indirect.gather [hbm4b:s8+s25], $0x10, s30, s25, $0xb8;
	[tilespmem:$0xBBD8] =	vst v63  }
0x4c: {  	s5 =	simm.s32 $0x680;
	s23 =	simm.s32 $0x1600  }
0x4d: {  	[tilespmem:s23], [sflag:$0x2] =	stream.indirect.gather [hbm4b:s8+s25], $0x10, s5, s25, $0xb8;
	[tilespmem:$0xBBD8] =	vst v63  }
0x4e: {  	s30 =	simm.s32 $0x280;
	s31 =	simm.s32 $0x3E00  }
0x4f: {  	[tilespmem:s31], [sflag:$0x2] =	stream.indirect.gather [hbm4b:s7+s25], $0x20, s30, s25, $0xb8;
	[tilespmem:$0xBBD8] =	vst v63  }
0x50: {  	s5 =	simm.s32 $0x880;
	s23 =	simm.s32 $0x7600  }
0x51: {  	[tilespmem:s23], [sflag:$0x2] =	stream.indirect.gather [hbm4b:s8+s25], $0x10, s5, s25, $0xb8;
	[tilespmem:$0xBBD8] =	vst v63  }
0x52: {  	s30 =	simm.s32 $0x700;
	s31 =	simm.s32 $0x1E00  }
0x53: {  	[tilespmem:s31], [sflag:$0x3] =	stream.indirect.gather [hbm4b:s8+s25], $0x10, s30, s25, $0xb8;
	[tilespmem:$0xBBD8] =	vst v63  }
0x54: {  	s5 =	simm.s32 $0x300;
	s23 =	simm.s32 $0x4E00  }
0x55: {  	[tilespmem:s23], [sflag:$0x3] =	stream.indirect.gather [hbm4b:s7+s25], $0x20, s5, s25, $0xb8;
	[tilespmem:$0xBBD8] =	vst v63  }
0x56: {  	s30 =	simm.s32 $0x900;
	s31 =	simm.s32 $0x7E00  }
0x57: {  	[tilespmem:s31], [sflag:$0x3] =	stream.indirect.gather [hbm4b:s8+s25], $0x10, s30, s25, $0xb8;
	[tilespmem:$0xBBD8] =	vst v63  }
0x58: {  	s5 =	simm.s32 $0x780;
	s23 =	simm.s32 $0x2600  }
0x59: {  	[tilespmem:s23], [sflag:$0x4] =	stream.indirect.gather [hbm4b:s8+s25], $0x10, s5, s25, $0xb8;
	[tilespmem:$0xBBD8] =	vst v63  }
0x5a: {  	s30 =	simm.s32 $0x380;
	s31 =	simm.s32 $0x5E00  }
0x5b: {  	[tilespmem:s31], [sflag:$0x4] =	stream.indirect.gather [hbm4b:s7+s25], $0x20, s30, s25, $0xb8;
	[tilespmem:$0xBBD8] =	vst v63  }
0x5c: {  	s5 =	simm.s32 $0x980;
	s23 =	simm.s32 $0x8600  }
0x5d: {  	[tilespmem:s23], [sflag:$0x4] =	stream.indirect.gather [hbm4b:s8+s25], $0x10, s5, s25, $0xb8;
	[tilespmem:$0xBBD8] =	vst v63  }
0x5e: {  	_ =	swait.ge [sflag:s2], $0x800  }
0x5f: {  	[sflag:s2] =	ssyncset.done $0x0  }
0x60: {  	[sflag:s2] =	ssyncadd.s32 $0xFFFFF800  }
0x61: {  	_ =	swait.ge [sflag:s2], $0x1000  }
0x62: {  	[sflag:s2] =	ssyncset.done $0x0  }
0x63: {  	[sflag:s2] =	ssyncadd.s32 $0xFFFFF000  }
0x64: {  	_ =	swait.ge [sflag:s2], $0x800  }
0x65: {  	[sflag:s2] =	ssyncset.done $0x0  }
0x66: {  	s30 =	simm.s32 $0xE10;
	[sflag:s2] =	ssyncadd.s32 $0xFFFFF800  }
0x67: {  	s23 =	simm.s32 $0x6E10;
	v25 =	vld [tilespmem:s30+$0xFFFFFFF0]  }
0x68: {  	s0 =	simm.s32 $0x2E20;
	v26 =	vld [tilespmem:s23+$0xFFFFFFF0]  }
0x69: {  	v27 =	vld [tilespmem:s0+$0xFFFFFFF0]  }
0x6a: {  	v28 =	vld [tilespmem:s0+$0xFFFFFFE0];
	_ =	sdelay $0x4  }
0x6b: {  	v26 =	vmul.bf16 v26, v27;
	v25 =	vmul.bf16 v28, v25  }
0x6c: {  	s1 =	simm.s32 $0x0  }
0x6d: {  	v25 =	vadd.bf16 v26, v25;
	v26 =	vadd.s32 s1, v0;
	_ =	sdelay $0x1  }
0x6e: {  	v27 =	vunpack.i.u.bf16.f32 v25;
	v25 =	vunpack.i.l.bf16.f32 v25  }
0x6f: {  	v25 =	vadd.f32 v25, v27;
	_ =	sdelay $0x1  }
0x70: {  	[tilespmem:v26+s3+$0x0] =	vst.idx.msk $0xffff, v25  }
0x71: {  	v25 =	vld [tilespmem:s0+$0x10]  }
0x72: {  	v26 =	vld [tilespmem:s0+$0x0]  }
0x73: {  	v27 =	vld [tilespmem:s23+$0x0]  }
0x74: {  	v63 =	vld [tilespmem:s30+$0x0];
	_ =	sdelay $0x4  }
0x75: {  	v27 =	vmul.bf16 v27, v25;
	v26 =	vmul.bf16 v26, v63  }
0x76: {  	s31 =	simm.s32 $0x11  }
0x77: {  	v25 =	vadd.s32 s31, v0;
	v26 =	vadd.bf16 v27, v26  }
0x78: {  	s29 =	simm.s32 $0x6E30;
	s5 =	simm.s32 $0x0;
	s23 =	simm.s32 $0xE30  }
.LBB2_4:
0x79: {  	s5 =	sadd.s32 $0x2, s5;
	v27 =	vunpack.i.u.bf16.f32 v26;
	v26 =	vunpack.i.l.bf16.f32 v26;
	s1 =	sadd.s32 $0x22, s1;
	s0 =	sadd.s32 $0x40, s0  }
0x7a: {  	p0 =	slt.u32 s5, $0x7E;
	v26 =	vadd.f32 v26, v27;
	_ =	sdelay $0x1  }
0x7b: {  	[tilespmem:v25+s3+$0x0] =	vst.idx.msk $0xffff, v26  }
0x7c: {  	v25 =	vld [tilespmem:s23+$0xFFFFFFF0]  }
0x7d: {  	v26 =	vld [tilespmem:s29+$0xFFFFFFF0]  }
0x7e: {  	v27 =	vld [tilespmem:s0+$0xFFFFFFF0]  }
0x7f: {  	v28 =	vld [tilespmem:s0+$0xFFFFFFE0];
	_ =	sdelay $0x3  }
0x80: {  	v26 =	vmul.bf16 v26, v27  }
0x81: {  	v25 =	vmul.bf16 v28, v25;
	_ =	sdelay $0x1  }
0x82: {  	v25 =	vadd.bf16 v26, v25;
	v26 =	vadd.s32 s1, v0;
	_ =	sdelay $0x1  }
0x83: {  	v27 =	vunpack.i.u.bf16.f32 v25;
	v25 =	vunpack.i.l.bf16.f32 v25  }
0x84: {  	v25 =	vadd.f32 v25, v27;
	_ =	sdelay $0x1  }
0x85: {  	[tilespmem:v26+s3+$0x0] =	vst.idx.msk $0xffff, v25  }
0x86: {  	v25 =	vld [tilespmem:s0+$0x10]  }
0x87: {  	v26 =	vld [tilespmem:s0+$0x0]  }
0x88: {  	v27 =	vld [tilespmem:s29+$0x0]  }
0x89: {  	v28 =	vld [tilespmem:s23+$0x0];
	_ =	sdelay $0x3  }
.Ltmp1:
0x8a: {  	v27 =	vmul.bf16 v27, v25;
	(pc) =	sbr.rel @p0 .LBB2_4-.Ltmp1, $4  }
0x8b: {  	s30 =	sadd.s32 $0x11, s1;
	v26 =	vmul.bf16 v26, v28  }
0x8c: {  	v25 =	vadd.s32 s30, v0  }
0x8d: {  	v26 =	vadd.bf16 v27, v26  }
0x8e: {  	s29 =	sadd.s32 $0x20, s29;
	s23 =	sadd.s32 $0x20, s23  }
0x8f: {  	_ = 	snop  }
0x90: {  	v27 =	vunpack.i.u.bf16.f32 v26;
	v26 =	vunpack.i.l.bf16.f32 v26  }
0x91: {  	v26 =	vadd.f32 v26, v27;
	_ =	sdelay $0x1  }
0x92: {  	[tilespmem:v25+s3+$0x0] =	vst.idx.msk $0xffff, v26  }
0x93: {  	_ =	swait.ge [sflag:s4], $0x800  }
0x94: {  	[sflag:s4] =	ssyncset.done $0x0  }
0x95: {  	[sflag:s4] =	ssyncadd.s32 $0xFFFFF800  }
0x96: {  	_ =	swait.ge [sflag:s4], $0x1000  }
0x97: {  	[sflag:s4] =	ssyncset.done $0x0  }
0x98: {  	[sflag:s4] =	ssyncadd.s32 $0xFFFFF000  }
0x99: {  	_ =	swait.ge [sflag:s4], $0x800  }
0x9a: {  	[sflag:s4] =	ssyncset.done $0x0  }
0x9b: {  	s5 =	simm.s32 $0x1610;
	[sflag:s4] =	ssyncadd.s32 $0xFFFFF800  }
0x9c: {  	s23 =	simm.s32 $0x7610;
	v25 =	vld [tilespmem:s5+$0xFFFFFFF0]  }
0x9d: {  	s0 =	simm.s32 $0x3E30;
	v26 =	vld [tilespmem:s23+$0xFFFFFFF0]  }
0x9e: {  	v27 =	vld [tilespmem:s0+$0xFFFFFFE0]  }
0x9f: {  	v28 =	vld [tilespmem:s0+$0xFFFFFFD0];
	_ =	sdelay $0x4  }
0xa0: {  	v26 =	vmul.bf16 v26, v27;
	v25 =	vmul.bf16 v28, v25  }
0xa1: {  	s1 =	simm.s32 $0x880  }
0xa2: {  	v25 =	vadd.bf16 v26, v25;
	v26 =	vadd.s32 s1, v0;
	_ =	sdelay $0x1  }
0xa3: {  	v27 =	vunpack.i.u.bf16.f32 v25;
	v25 =	vunpack.i.l.bf16.f32 v25  }
0xa4: {  	v25 =	vadd.f32 v25, v27;
	_ =	sdelay $0x1  }
0xa5: {  	[tilespmem:v26+s3+$0x0] =	vst.idx.msk $0xffff, v25  }
0xa6: {  	v25 =	vld [tilespmem:s0+$0x0]  }
0xa7: {  	v26 =	vld [tilespmem:s0+$0xFFFFFFF0]  }
0xa8: {  	v27 =	vld [tilespmem:s23+$0x0]  }
0xa9: {  	v63 =	vld [tilespmem:s5+$0x0];
	_ =	sdelay $0x4  }
0xaa: {  	v27 =	vmul.bf16 v27, v25;
	v26 =	vmul.bf16 v26, v63  }
0xab: {  	s31 =	simm.s32 $0x891  }
0xac: {  	v25 =	vadd.s32 s31, v0;
	v26 =	vadd.bf16 v27, v26  }
0xad: {  	s29 =	simm.s32 $0x7630;
	s5 =	simm.s32 $0x80;
	s23 =	simm.s32 $0x1630  }
.LBB2_6:
0xae: {  	s5 =	sadd.s32 $0x2, s5;
	v27 =	vunpack.i.u.bf16.f32 v26;
	v26 =	vunpack.i.l.bf16.f32 v26;
	s1 =	sadd.s32 $0x22, s1;
	s0 =	sadd.s32 $0x40, s0  }
0xaf: {  	p0 =	slt.u32 s5, $0xFE;
	v26 =	vadd.f32 v26, v27;
	_ =	sdelay $0x1  }
0xb0: {  	[tilespmem:v25+s3+$0x0] =	vst.idx.msk $0xffff, v26  }
0xb1: {  	v25 =	vld [tilespmem:s23+$0xFFFFFFF0]  }
0xb2: {  	v26 =	vld [tilespmem:s29+$0xFFFFFFF0]  }
0xb3: {  	v27 =	vld [tilespmem:s0+$0xFFFFFFE0]  }
0xb4: {  	v28 =	vld [tilespmem:s0+$0xFFFFFFD0];
	_ =	sdelay $0x3  }
0xb5: {  	v26 =	vmul.bf16 v26, v27  }
0xb6: {  	v25 =	vmul.bf16 v28, v25;
	_ =	sdelay $0x1  }
0xb7: {  	v25 =	vadd.bf16 v26, v25;
	v26 =	vadd.s32 s1, v0;
	_ =	sdelay $0x1  }
0xb8: {  	v27 =	vunpack.i.u.bf16.f32 v25;
	v25 =	vunpack.i.l.bf16.f32 v25  }
0xb9: {  	v25 =	vadd.f32 v25, v27;
	_ =	sdelay $0x1  }
0xba: {  	[tilespmem:v26+s3+$0x0] =	vst.idx.msk $0xffff, v25  }
0xbb: {  	v25 =	vld [tilespmem:s0+$0x0]  }
0xbc: {  	v26 =	vld [tilespmem:s0+$0xFFFFFFF0]  }
0xbd: {  	v27 =	vld [tilespmem:s29+$0x0]  }
0xbe: {  	v28 =	vld [tilespmem:s23+$0x0];
	_ =	sdelay $0x3  }
.Ltmp2:
0xbf: {  	v27 =	vmul.bf16 v27, v25;
	(pc) =	sbr.rel @p0 .LBB2_6-.Ltmp2, $4  }
0xc0: {  	s30 =	sadd.s32 $0x11, s1;
	v26 =	vmul.bf16 v26, v28  }
0xc1: {  	v25 =	vadd.s32 s30, v0  }
0xc2: {  	v26 =	vadd.bf16 v27, v26  }
0xc3: {  	s29 =	sadd.s32 $0x20, s29;
	s23 =	sadd.s32 $0x20, s23  }
0xc4: {  	_ = 	snop  }
0xc5: {  	v27 =	vunpack.i.u.bf16.f32 v26;
	v26 =	vunpack.i.l.bf16.f32 v26  }
0xc6: {  	v26 =	vadd.f32 v26, v27;
	_ =	sdelay $0x1  }
0xc7: {  	[tilespmem:v25+s3+$0x0] =	vst.idx.msk $0xffff, v26  }
0xc8: {  	_ =	swait.ge [sflag:s17], $0x800  }
0xc9: {  	[sflag:s17] =	ssyncset.done $0x0  }
0xca: {  	[sflag:s17] =	ssyncadd.s32 $0xFFFFF800  }
0xcb: {  	_ =	swait.ge [sflag:s17], $0x1000  }
0xcc: {  	[sflag:s17] =	ssyncset.done $0x0  }
0xcd: {  	[sflag:s17] =	ssyncadd.s32 $0xFFFFF000  }
0xce: {  	_ =	swait.ge [sflag:s17], $0x800  }
0xcf: {  	[sflag:s17] =	ssyncset.done $0x0  }
0xd0: {  	s5 =	simm.s32 $0x1E10;
	[sflag:s17] =	ssyncadd.s32 $0xFFFFF800  }
0xd1: {  	s23 =	simm.s32 $0x7E10;
	v25 =	vld [tilespmem:s5+$0xFFFFFFF0]  }
0xd2: {  	s0 =	simm.s32 $0x4E30;
	v26 =	vld [tilespmem:s23+$0xFFFFFFF0]  }
0xd3: {  	v27 =	vld [tilespmem:s0+$0xFFFFFFE0]  }
0xd4: {  	v28 =	vld [tilespmem:s0+$0xFFFFFFD0];
	_ =	sdelay $0x4  }
0xd5: {  	v26 =	vmul.bf16 v26, v27;
	v25 =	vmul.bf16 v28, v25  }
0xd6: {  	s1 =	simm.s32 $0x1100  }
0xd7: {  	v25 =	vadd.bf16 v26, v25;
	v26 =	vadd.s32 s1, v0;
	_ =	sdelay $0x1  }
0xd8: {  	v27 =	vunpack.i.u.bf16.f32 v25;
	v25 =	vunpack.i.l.bf16.f32 v25  }
0xd9: {  	v25 =	vadd.f32 v25, v27;
	_ =	sdelay $0x1  }
0xda: {  	[tilespmem:v26+s3+$0x0] =	vst.idx.msk $0xffff, v25  }
0xdb: {  	v25 =	vld [tilespmem:s0+$0x0]  }
0xdc: {  	v26 =	vld [tilespmem:s0+$0xFFFFFFF0]  }
0xdd: {  	v27 =	vld [tilespmem:s23+$0x0]  }
0xde: {  	v63 =	vld [tilespmem:s5+$0x0];
	_ =	sdelay $0x4  }
0xdf: {  	v27 =	vmul.bf16 v27, v25;
	v26 =	vmul.bf16 v26, v63  }
0xe0: {  	s31 =	simm.s32 $0x1111  }
0xe1: {  	v25 =	vadd.s32 s31, v0;
	v26 =	vadd.bf16 v27, v26  }
0xe2: {  	s29 =	simm.s32 $0x7E30;
	s5 =	simm.s32 $0x100;
	s23 =	simm.s32 $0x1E30  }
.LBB2_8:
0xe3: {  	s5 =	sadd.s32 $0x2, s5;
	v27 =	vunpack.i.u.bf16.f32 v26;
	v26 =	vunpack.i.l.bf16.f32 v26;
	s1 =	sadd.s32 $0x22, s1;
	s0 =	sadd.s32 $0x40, s0  }
0xe4: {  	p0 =	slt.u32 s5, $0x17E;
	v26 =	vadd.f32 v26, v27;
	_ =	sdelay $0x1  }
0xe5: {  	[tilespmem:v25+s3+$0x0] =	vst.idx.msk $0xffff, v26  }
0xe6: {  	v25 =	vld [tilespmem:s23+$0xFFFFFFF0]  }
0xe7: {  	v26 =	vld [tilespmem:s29+$0xFFFFFFF0]  }
0xe8: {  	v27 =	vld [tilespmem:s0+$0xFFFFFFE0]  }
0xe9: {  	v28 =	vld [tilespmem:s0+$0xFFFFFFD0];
	_ =	sdelay $0x3  }
0xea: {  	v26 =	vmul.bf16 v26, v27  }
0xeb: {  	v25 =	vmul.bf16 v28, v25;
	_ =	sdelay $0x1  }
0xec: {  	v25 =	vadd.bf16 v26, v25;
	v26 =	vadd.s32 s1, v0;
	_ =	sdelay $0x1  }
0xed: {  	v27 =	vunpack.i.u.bf16.f32 v25;
	v25 =	vunpack.i.l.bf16.f32 v25  }
0xee: {  	v25 =	vadd.f32 v25, v27;
	_ =	sdelay $0x1  }
0xef: {  	[tilespmem:v26+s3+$0x0] =	vst.idx.msk $0xffff, v25  }
0xf0: {  	v25 =	vld [tilespmem:s0+$0x0]  }
0xf1: {  	v26 =	vld [tilespmem:s0+$0xFFFFFFF0]  }
0xf2: {  	v27 =	vld [tilespmem:s29+$0x0]  }
0xf3: {  	v28 =	vld [tilespmem:s23+$0x0];
	_ =	sdelay $0x3  }
.Ltmp3:
0xf4: {  	v27 =	vmul.bf16 v27, v25;
	(pc) =	sbr.rel @p0 .LBB2_8-.Ltmp3, $4  }
0xf5: {  	s30 =	sadd.s32 $0x11, s1;
	v26 =	vmul.bf16 v26, v28  }
0xf6: {  	v25 =	vadd.s32 s30, v0  }
0xf7: {  	v26 =	vadd.bf16 v27, v26  }
0xf8: {  	s29 =	sadd.s32 $0x20, s29;
	s23 =	sadd.s32 $0x20, s23  }
0xf9: {  	_ = 	snop  }
0xfa: {  	v27 =	vunpack.i.u.bf16.f32 v26;
	v26 =	vunpack.i.l.bf16.f32 v26  }
0xfb: {  	v26 =	vadd.f32 v26, v27;
	_ =	sdelay $0x1  }
0xfc: {  	[tilespmem:v25+s3+$0x0] =	vst.idx.msk $0xffff, v26  }
0xfd: {  	_ =	swait.ge [sflag:s18], $0x800  }
0xfe: {  	[sflag:s18] =	ssyncset.done $0x0  }
0xff: {  	[sflag:s18] =	ssyncadd.s32 $0xFFFFF800  }
0x100: {  	_ =	swait.ge [sflag:s18], $0x1000  }
0x101: {  	[sflag:s18] =	ssyncset.done $0x0  }
0x102: {  	[sflag:s18] =	ssyncadd.s32 $0xFFFFF000  }
0x103: {  	_ =	swait.ge [sflag:s18], $0x800  }
0x104: {  	[sflag:s18] =	ssyncset.done $0x0  }
0x105: {  	s5 =	simm.s32 $0x2610;
	[sflag:s18] =	ssyncadd.s32 $0xFFFFF800  }
0x106: {  	s23 =	simm.s32 $0x8610;
	v25 =	vld [tilespmem:s5+$0xFFFFFFF0]  }
0x107: {  	s0 =	simm.s32 $0x5E30;
	v26 =	vld [tilespmem:s23+$0xFFFFFFF0]  }
0x108: {  	v27 =	vld [tilespmem:s0+$0xFFFFFFE0]  }
0x109: {  	v28 =	vld [tilespmem:s0+$0xFFFFFFD0];
	_ =	sdelay $0x4  }
0x10a: {  	v26 =	vmul.bf16 v26, v27;
	v25 =	vmul.bf16 v28, v25  }
0x10b: {  	s1 =	simm.s32 $0x1980  }
0x10c: {  	v25 =	vadd.bf16 v26, v25;
	v26 =	vadd.s32 s1, v0;
	_ =	sdelay $0x1  }
0x10d: {  	v27 =	vunpack.i.u.bf16.f32 v25;
	v25 =	vunpack.i.l.bf16.f32 v25  }
0x10e: {  	v25 =	vadd.f32 v25, v27;
	_ =	sdelay $0x1  }
0x10f: {  	[tilespmem:v26+s3+$0x0] =	vst.idx.msk $0xffff, v25  }
0x110: {  	v25 =	vld [tilespmem:s0+$0x0]  }
0x111: {  	v26 =	vld [tilespmem:s0+$0xFFFFFFF0]  }
0x112: {  	v27 =	vld [tilespmem:s23+$0x0]  }
0x113: {  	v63 =	vld [tilespmem:s5+$0x0];
	_ =	sdelay $0x4  }
0x114: {  	v27 =	vmul.bf16 v27, v25;
	v26 =	vmul.bf16 v26, v63  }
0x115: {  	s31 =	simm.s32 $0x1991  }
0x116: {  	v25 =	vadd.s32 s31, v0;
	v26 =	vadd.bf16 v27, v26  }
0x117: {  	s29 =	simm.s32 $0x8630;
	s5 =	simm.s32 $0x180;
	s23 =	simm.s32 $0x2630  }
.LBB2_10:
0x118: {  	s5 =	sadd.s32 $0x2, s5;
	v27 =	vunpack.i.u.bf16.f32 v26;
	v26 =	vunpack.i.l.bf16.f32 v26;
	s1 =	sadd.s32 $0x22, s1;
	s0 =	sadd.s32 $0x40, s0  }
0x119: {  	p0 =	slt.u32 s5, $0x1FE;
	v26 =	vadd.f32 v26, v27;
	_ =	sdelay $0x1  }
0x11a: {  	[tilespmem:v25+s3+$0x0] =	vst.idx.msk $0xffff, v26  }
0x11b: {  	v25 =	vld [tilespmem:s23+$0xFFFFFFF0]  }
0x11c: {  	v26 =	vld [tilespmem:s29+$0xFFFFFFF0]  }
0x11d: {  	v27 =	vld [tilespmem:s0+$0xFFFFFFE0]  }
0x11e: {  	v28 =	vld [tilespmem:s0+$0xFFFFFFD0];
	_ =	sdelay $0x3  }
0x11f: {  	v26 =	vmul.bf16 v26, v27  }
0x120: {  	v25 =	vmul.bf16 v28, v25;
	_ =	sdelay $0x1  }
0x121: {  	v25 =	vadd.bf16 v26, v25;
	v26 =	vadd.s32 s1, v0;
	_ =	sdelay $0x1  }
0x122: {  	v27 =	vunpack.i.u.bf16.f32 v25;
	v25 =	vunpack.i.l.bf16.f32 v25  }
0x123: {  	v25 =	vadd.f32 v25, v27;
	_ =	sdelay $0x1  }
0x124: {  	[tilespmem:v26+s3+$0x0] =	vst.idx.msk $0xffff, v25  }
0x125: {  	v25 =	vld [tilespmem:s0+$0x0]  }
0x126: {  	v26 =	vld [tilespmem:s0+$0xFFFFFFF0]  }
0x127: {  	v27 =	vld [tilespmem:s29+$0x0]  }
0x128: {  	v28 =	vld [tilespmem:s23+$0x0];
	_ =	sdelay $0x3  }
.Ltmp4:
0x129: {  	v27 =	vmul.bf16 v27, v25;
	(pc) =	sbr.rel @p0 .LBB2_10-.Ltmp4, $4  }
0x12a: {  	s30 =	sadd.s32 $0x11, s1;
	v26 =	vmul.bf16 v26, v28  }
0x12b: {  	v25 =	vadd.s32 s30, v0  }
0x12c: {  	v26 =	vadd.bf16 v27, v26  }
0x12d: {  	s29 =	sadd.s32 $0x20, s29;
	s23 =	sadd.s32 $0x20, s23  }
0x12e: {  	_ = 	snop  }
0x12f: {  	v27 =	vunpack.i.u.bf16.f32 v26;
	v26 =	vunpack.i.l.bf16.f32 v26  }
0x130: {  	v26 =	vadd.f32 v26, v27;
	_ =	sdelay $0x1  }
0x131: {  	[tilespmem:v25+s3+$0x0] =	vst.idx.msk $0xffff, v26  }
0x132: {  	_ =	swait.ge [sflag:s19], $0x200  }
0x133: {  	[sflag:s19] =	ssyncset.done $0x0  }
0x134: {  	[sflag:s19] =	ssyncadd.s32 $0xFFFFFE00  }
0x135: {  	_ =	swait.ge [sflag:s19], $0x200  }
0x136: {  	[sflag:s19] =	ssyncset.done $0x0  }
0x137: {  	[sflag:s19] =	ssyncadd.s32 $0xFFFFFE00  }
0x138: {  	_ =	swait.ge [sflag:s19], $0x3E8  }
0x139: {  	[sflag:s19] =	ssyncset.done $0x0  }
0x13a: {  	[sflag:s19] =	ssyncadd.s32 $0xFFFFFC18  }
0x13b: {  	_ =	swait.ge [sflag:s19], $0x3E8  }
0x13c: {  	s0 =	simm.s32 $0x0;
	[sflag:s19] =	ssyncset.done $0x0  }
0x13d: {  	v25 =	vadd.s32 s0, v1;
	[sflag:s19] =	ssyncadd.s32 $0xFFFFFC18  }
0x13e: {  	v25 =	vand.u32 $0x7FF8, v25;
	_ =	swait.ge [sflag:s19], $0x3E8  }
0x13f: {  	v26 =	vadd.s32 s0, v3;
	v25 =	vor.u32 v2, v25;
	[sflag:s19] =	ssyncset.done $0x0  }
0x140: {  	v26 =	vand.u32 $0x7FF8, v26;
	[sflag:s19] =	ssyncadd.s32 $0xFFFFFC18  }
0x141: {  	v27 =	vadd.s32 s0, v5;
	v26 =	vor.u32 v4, v26;
	_ =	swait.ge [sflag:s19], $0x10  }
0x142: {  	v27 =	vand.u32 $0x7FF8, v27;
	[sflag:s19] =	ssyncset.done $0x0  }
0x143: {  	v28 =	vadd.s32 s0, v7;
	v27 =	vor.u32 v6, v27;
	[sflag:s19] =	ssyncadd.s32 $0xFFFFFFF0  }
0x144: {  	v29 =	vld.idx.msk [tilespmem:v25+s3+$0x0], $0xffff;
	v25 =	vand.u32 $0x7FF8, v28  }
0x145: {  	v28 =	vor.u32 v8, v25;
	v25 =	vadd.s32 s0, v9  }
0x146: {  	v31 =	vadd.s32 s0, v11;
	v26 =	vld.idx.msk [tilespmem:v26+s3+$0x0], $0xffff;
	v25 =	vand.u32 $0x7FF8, v25  }
0x147: {  	v32 =	vadd.s32 s0, v13;
	v31 =	vand.u32 $0x7FF8, v31;
	v30 =	vor.u32 v10, v25  }
0x148: {  	v32 =	vand.u32 $0x7FF8, v32;
	v31 =	vor.u32 v12, v31;
	v27 =	vld.idx.msk [tilespmem:v27+s3+$0x0], $0xffff  }
0x149: {  	v33 =	vadd.s32 s0, v24;
	v32 =	vor.u32 v14, v32;
	v29 =	vadd.f32 $0.0e+00, v29  }
0x14a: {  	v34 =	vadd.s32 s0, v22;
	v35 =	vadd.s32 s0, v15;
	v36 =	vadd.s32 s0, v21;
	v28 =	vld.idx.msk [tilespmem:v28+s3+$0x0], $0xffff  }
0x14b: {  	v38 =	vadd.s32 s0, v17;
	v33 =	vand.u32 $0x7FF8, v33;
	v29 =	vadd.f32 v26, v29  }
0x14c: {  	v52 =	vadd.s32 s0, v18;
	v35 =	vand.u32 $0x7FF8, v35;
	v33 =	vor.u32 v16, v33;
	v30 =	vld.idx.msk [tilespmem:v30+s3+$0x0], $0xffff  }
0x14d: {  	v34 =	vand.u32 $0x7FF8, v34;
	v31 =	vld.idx.msk [tilespmem:v31+s3+$0x0], $0xffff;
	v27 =	vadd.f32 v27, v29;
	v29 =	vor.u32 v16, v35  }
0x14e: {  	v39 =	vadd.s32 s0, v19;
	v38 =	vand.u32 $0x7FF8, v38;
	v34 =	vor.u32 v12, v34;
	v32 =	vld.idx.msk [tilespmem:v32+s3+$0x0], $0xffff  }
0x14f: {  	s29 =	simm.s32 $0x110;
	s23 =	simm.s32 $0x200;
	v36 =	vand.u32 $0x7FF8, v36;
	v41 =	vld [tilespmem:s0+$0x0];
	v27 =	vadd.f32 v28, v27;
	v28 =	vor.u32 v2, v38  }
0x150: {  	v40 =	vadd.s32 s29, v3;
	v36 =	vor.u32 v10, v36;
	v42 =	vld [tilespmem:s23+$0x0];
	v35 =	vand.u32 $0x7FF8, v52  }
0x151: {  	v53 =	vand.u32 $0x7FF8, v40;
	v33 =	vld.idx.msk [tilespmem:v33+s3+$0x0], $0xffff;
	v35 =	vor.u32 v4, v35;
	v27 =	vadd.f32 v30, v27  }
0x152: {  	v39 =	vand.u32 $0x7FF8, v39;
	v55 =	vor.u32 v4, v53;
	v29 =	vld.idx.msk [tilespmem:v29+s3+$0x0], $0xffff  }
0x153: {  	v37 =	vadd.s32 s0, v20;
	v39 =	vor.u32 v6, v39;
	v34 =	vld.idx.msk [tilespmem:v34+s3+$0x0], $0xffff;
	v27 =	vadd.f32 v31, v27  }
0x154: {  	v30 =	vadd.s32 s29, v1;
	v31 =	vand.u32 $0x7FF8, v37;
	v28 =	vld.idx.msk [tilespmem:v28+s3+$0x0], $0xffff  }
0x155: {  	v36 =	vld.idx.msk [tilespmem:v36+s3+$0x0], $0xffff;
	v30 =	vand.u32 $0x7FF8, v30;
	v31 =	vor.u32 v8, v31;
	v27 =	vadd.f32 v32, v27  }
0x156: {  	v56 =	vadd.s32 s0, v23;
	v43 =	vadd.s32 s29, v5;
	v30 =	vor.u32 v2, v30;
	v54 =	vld.idx.msk [tilespmem:v35+s3+$0x0], $0xffff  }
0x157: {  	v58 =	vadd.s32 s29, v7;
	v44 =	vadd.s32 s29, v22;
	v60 =	vld.idx.msk [tilespmem:v55+s3+$0x0], $0xffff;
	v27 =	vadd.f32 v29, v27  }
0x158: {  	v45 =	vadd.s32 s29, v20;
	v61 =	vadd.s32 s29, v9;
	v46 =	vadd.s32 s29, v18;
	v29 =	vld.idx.msk [tilespmem:v39+s3+$0x0], $0xffff  }
0x159: {  	v47 =	vadd.s32 s29, v19;
	v57 =	vand.u32 $0x7FF8, v43;
	v26 =	vld [tilespmem:$0xBBB8];
	v27 =	vadd.f32 v28, v27  }
0x15a: {  	v48 =	vadd.s32 s29, v17;
	v39 =	vor.u32 v6, v57;
	v28 =	vand.u32 $0x7FF8, v56;
	v31 =	vld.idx.msk [tilespmem:v31+s3+$0x0], $0xffff  }
0x15b: {  	v59 =	vand.u32 $0x7FF8, v58;
	v30 =	vld.idx.msk [tilespmem:v30+s3+$0x0], $0xffff;
	v28 =	vor.u32 v14, v28;
	v27 =	vadd.f32 v54, v27  }
0x15c: {  	s1 =	simm.s32 $0xA00;
	v49 =	vadd.s32 s29, v11;
	v51 =	vadd.s32 s29, v13;
	v40 =	vor.u32 v8, v59;
	v42 =	vld.idx.msk [tilespmem:v42+s21+$0x0], $0xffff  }
0x15d: {  	v50 =	vadd.s32 s29, v15;
	v51 =	vand.u32 $0x7FF8, v51;
	v38 =	vld [tilespmem:s1+$0x0];
	v27 =	vadd.f32 v29, v27  }
0x15e: {  	v43 =	vadd.s32 s29, v21;
	v63 =	vor.u32 v14, v51;
	v35 =	vand.u32 $0x7FF8, v61;
	v29 =	vld.idx.msk [tilespmem:v41+s22+$0x0], $0xffff  }
0x15f: {  	v50 =	vand.u32 $0x7FF8, v50;
	v35 =	vor.u32 v10, v35;
	v39 =	vld.idx.msk [tilespmem:v39+s3+$0x0], $0xffff;
	v27 =	vadd.f32 v31, v27  }
0x160: {  	v49 =	vand.u32 $0x7FF8, v49;
	v53 =	vor.u32 v16, v50;
	v30 =	vadd.f32 $0.0e+00, v30;
	v28 =	vld.idx.msk [tilespmem:v28+s3+$0x0], $0xffff  }
0x161: {  	s31 =	simm.s32 $0x220;
	v40 =	vld.idx.msk [tilespmem:v40+s3+$0x0], $0xffff;
	v55 =	vand.u32 $0x7FF8, v48;
	v31 =	vor.u32 v12, v49;
	v27 =	vadd.f32 v36, v27  }
0x162: {  	v25 =	vimm.f32 $0.0e+00;
	v62 =	vld.idx.msk [tilespmem:v41+s20+$0x0], $0xffff;
	v52 =	vadd.s32 s31, v3;
	v30 =	vadd.f32 v60, v30  }
0x163: {  	v51 =	vadd.f32 v42, v26;
	v32 =	vld.idx.msk [tilespmem:v63+s3+$0x0], $0xffff;
	v29 =	vmul.f32 v38, v29;
	v27 =	vadd.f32 v34, v27  }
0x164: {  	s30 =	simm.s32 $0xC00;
	v37 =	vadd.s32 s29, v24;
	v61 =	vand.u32 $0x7FF8, v44;
	v35 =	vld.idx.msk [tilespmem:v35+s3+$0x0], $0xffff;
	v30 =	vadd.f32 v39, v30  }
0x165: {  	v37 =	vand.u32 $0x7FF8, v37;
	v54 =	vld [tilespmem:s30+$0x0];
	v29 =	vadd.f32 v29, v51;
	v28 =	vadd.f32 v28, v27  }
0x166: {  	v58 =	vor.u32 v16, v37;
	v56 =	vor.u32 v2, v55;
	v30 =	vadd.f32 v40, v30;
	v31 =	vld.idx.msk [tilespmem:v31+s3+$0x0], $0xffff  }
0x167: {  	s0 =	simm.s32 $0xA10;
	v57 =	vand.u32 $0x7FF8, v46;
	v34 =	vld.idx.msk [tilespmem:v53+s3+$0x0], $0xffff;
	v59 =	vadd.f32 v29, v62;
	v28 =	vadd.f32 v33, v28  }
0x168: {  	s5 =	simm.s32 $0x10;
	v63 =	vand.u32 $0x7FF8, v43;
	v60 =	vand.u32 $0x7FF8, v47;
	v38 =	vor.u32 v4, v57;
	v27 =	vld [tilespmem:s0+$0x0]  }
0x169: {  	s1 =	simm.s32 $0x210;
	v40 =	vor.u32 v12, v61;
	v30 =	vadd.f32 v35, v30;
	v29 =	vld [tilespmem:s5+$0x0];
	v28 =	vadd.f32 v59, v28  }
0x16a: {  	v37 =	vor.u32 v10, v63;
	v49 =	vadd.s32 s31, v1;
	v36 =	vor.u32 v6, v60;
	v33 =	vld [tilespmem:s1+$0x0]  }
0x16b: {  	v62 =	vand.u32 $0x7FF8, v45;
	v35 =	vadd.f32 v31, v30;
	v31 =	vld.idx.msk [tilespmem:v56+s3+$0x0], $0xffff;
	v30 =	vsub.f32 v28, v54  }
0x16c: {  	s23 =	simm.s32 $0x330;
	v41 =	vand.u32 $0x7FF8, v52;
	v42 =	vand.u32 $0x7FF8, v49;
	v39 =	vor.u32 v8, v62;
	v28 =	vld.idx.msk [tilespmem:v58+s3+$0x0], $0xffff  }
.LBB2_12:
0x16d: {  	p0 =	sne.s32 s23, $0x20F0;
	v42 =	vor.u32 v2, v42;
	v32 =	vadd.f32 v32, v35;
	v35 =	vld.idx.msk [tilespmem:v38+s3+$0x0], $0xffff;
	v30 =	vmul.f32 v30, v30  }
0x16e: {  	v38 =	vor.u32 v4, v41;
	v41 =	vadd.s32 s31, v24;
	v43 =	vadd.s32 s29, v23;
	s29 =	smov.u32 s31;
	s31 =	smov.u32 s23;
	v40 =	vld.idx.msk [tilespmem:v40+s3+$0x0], $0xffff  }
0x16f: {  	v44 =	vadd.s32 s29, v5;
	v32 =	vadd.f32 v34, v32;
	v34 =	vld.idx.msk [tilespmem:v36+s3+$0x0], $0xffff;
	v25 =	vadd.f32 v30, v25  }
0x170: {  	v30 =	vand.u32 $0x7FF8, v44;
	v36 =	vadd.s32 s29, v7;
	v44 =	vadd.s32 s29, v22;
	v37 =	vld.idx.msk [tilespmem:v37+s3+$0x0], $0xffff  }
0x171: {  	v30 =	vor.u32 v6, v30;
	v31 =	vadd.f32 v31, v32;
	v32 =	vld.idx.msk [tilespmem:v39+s3+$0x0], $0xffff;
	v39 =	vand.u32 $0x7FF8, v43  }
0x172: {  	v36 =	vand.u32 $0x7FF8, v36;
	v43 =	vadd.s32 s29, v21;
	v42 =	vld.idx.msk [tilespmem:v42+s3+$0x0], $0xffff;
	v39 =	vor.u32 v14, v39  }
0x173: {  	v45 =	vadd.s32 s29, v20;
	v36 =	vor.u32 v8, v36;
	v38 =	vld.idx.msk [tilespmem:v38+s3+$0x0], $0xffff;
	v31 =	vadd.f32 v35, v31  }
0x174: {  	v46 =	vadd.s32 s29, v18;
	v47 =	vadd.s32 s29, v19;
	v35 =	vadd.s32 s29, v9;
	v33 =	vld.idx.msk [tilespmem:v33+s21+$0x0], $0xffff  }
0x175: {  	v48 =	vadd.s32 s29, v17;
	v35 =	vand.u32 $0x7FF8, v35;
	v31 =	vadd.f32 v34, v31;
	v34 =	vld.idx.msk [tilespmem:v29+s22+$0x0], $0xffff  }
0x176: {  	v49 =	vadd.s32 s29, v11;
	v50 =	vadd.s32 s29, v15;
	v35 =	vor.u32 v10, v35;
	v30 =	vld.idx.msk [tilespmem:v30+s3+$0x0], $0xffff  }
0x177: {  	v51 =	vadd.s32 s29, v13;
	v49 =	vand.u32 $0x7FF8, v49;
	v31 =	vadd.f32 v32, v31;
	v32 =	vld.idx.msk [tilespmem:v39+s3+$0x0], $0xffff  }
0x178: {  	v49 =	vor.u32 v12, v49;
	v39 =	vadd.s32 s23, v3;
	v42 =	vadd.f32 $0.0e+00, v42;
	v36 =	vld.idx.msk [tilespmem:v36+s3+$0x0], $0xffff  }
0x179: {  	v52 =	vadd.s32 s23, v1;
	v51 =	vand.u32 $0x7FF8, v51;
	v31 =	vadd.f32 v37, v31;
	v29 =	vld.idx.msk [tilespmem:v29+s20+$0x0], $0xffff  }
0x17a: {  	v37 =	vadd.f32 v38, v42;
	v38 =	vor.u32 v14, v51;
	v42 =	vand.u32 $0x7FF8, v50  }
0x17b: {  	s30 =	sadd.s32 $0x10, s30;
	v33 =	vadd.f32 v33, v26;
	v27 =	vmul.f32 v27, v34;
	v35 =	vld.idx.msk [tilespmem:v35+s3+$0x0], $0xffff;
	v31 =	vadd.f32 v40, v31  }
0x17c: {  	v34 =	vor.u32 v16, v42;
	v30 =	vadd.f32 v30, v37;
	v37 =	vand.u32 $0x7FF8, v41;
	v41 =	vld [tilespmem:s30+$0x0]  }
0x17d: {  	s0 =	sadd.s32 $0x10, s0;
	v40 =	vand.u32 $0x7FF8, v48;
	v33 =	vadd.f32 v27, v33;
	v42 =	vld.idx.msk [tilespmem:v49+s3+$0x0], $0xffff;
	v31 =	vadd.f32 v32, v31  }
0x17e: {  	v48 =	vor.u32 v2, v40;
	v30 =	vadd.f32 v36, v30;
	v36 =	vand.u32 $0x7FF8, v46;
	v27 =	vld [tilespmem:s0+$0x0]  }
0x17f: {  	s5 =	sadd.s32 $0x10, s5;
	v46 =	vor.u32 v16, v37;
	v32 =	vld.idx.msk [tilespmem:v38+s3+$0x0], $0xffff;
	v28 =	vadd.f32 v28, v31;
	v31 =	vadd.f32 v33, v29  }
.Ltmp5:
0x180: {  	v38 =	vor.u32 v4, v36;
	v33 =	vand.u32 $0x7FF8, v47;
	v36 =	vand.u32 $0x7FF8, v44;
	v29 =	vld [tilespmem:s5+$0x0];
	(pc) =	sbr.rel @p0 .LBB2_12-.Ltmp5, $4  }
0x181: {  	s1 =	sadd.s32 $0x10, s1;
	v30 =	vadd.f32 v35, v30;
	v40 =	vor.u32 v12, v36;
	v34 =	vld.idx.msk [tilespmem:v34+s3+$0x0], $0xffff;
	v28 =	vadd.f32 v31, v28  }
0x182: {  	v37 =	vand.u32 $0x7FF8, v43;
	v44 =	vand.u32 $0x7FF8, v45;
	v36 =	vor.u32 v6, v33;
	v33 =	vld [tilespmem:s1+$0x0]  }
0x183: {  	v37 =	vor.u32 v10, v37;
	v35 =	vadd.f32 v42, v30;
	v31 =	vld.idx.msk [tilespmem:v48+s3+$0x0], $0xffff;
	v30 =	vsub.f32 v28, v41  }
0x184: {  	s23 =	sadd.s32 $0x110, s23;
	v42 =	vand.u32 $0x7FF8, v52;
	v41 =	vand.u32 $0x7FF8, v39;
	v39 =	vor.u32 v8, v44;
	v28 =	vld.idx.msk [tilespmem:v46+s3+$0x0], $0xffff  }
0x185: {  	v42 =	vor.u32 v2, v42;
	_ =	sdelay $0x1  }
0x186: {  	v41 =	vor.u32 v4, v41;
	v43 =	vadd.s32 s31, v5  }
0x187: {  	v43 =	vand.u32 $0x7FF8, v43  }
0x188: {  	v44 =	vadd.s32 s31, v7;
	v43 =	vor.u32 v6, v43  }
0x189: {  	v44 =	vand.u32 $0x7FF8, v44;
	v42 =	vld.idx.msk [tilespmem:v42+s3+$0x0], $0xffff  }
0x18a: {  	v38 =	vld.idx.msk [tilespmem:v38+s3+$0x0], $0xffff;
	v45 =	vadd.s32 s31, v9;
	v44 =	vor.u32 v8, v44  }
0x18b: {  	v45 =	vand.u32 $0x7FF8, v45;
	v41 =	vld.idx.msk [tilespmem:v41+s3+$0x0], $0xffff  }
0x18c: {  	v40 =	vld.idx.msk [tilespmem:v40+s3+$0x0], $0xffff;
	v46 =	vadd.s32 s31, v11;
	v45 =	vor.u32 v10, v45  }
0x18d: {  	v46 =	vand.u32 $0x7FF8, v46;
	v43 =	vld.idx.msk [tilespmem:v43+s3+$0x0], $0xffff  }
0x18e: {  	v36 =	vld.idx.msk [tilespmem:v36+s3+$0x0], $0xffff;
	v47 =	vadd.s32 s31, v13;
	v46 =	vor.u32 v12, v46;
	v42 =	vadd.f32 $0.0e+00, v42  }
0x18f: {  	v47 =	vand.u32 $0x7FF8, v47;
	v44 =	vld.idx.msk [tilespmem:v44+s3+$0x0], $0xffff  }
0x190: {  	v37 =	vld.idx.msk [tilespmem:v37+s3+$0x0], $0xffff;
	v48 =	vadd.s32 s31, v15;
	v59 =	vor.u32 v14, v47;
	v41 =	vadd.f32 v41, v42  }
0x191: {  	v60 =	vand.u32 $0x7FF8, v48;
	v45 =	vld.idx.msk [tilespmem:v45+s3+$0x0], $0xffff  }
0x192: {  	v39 =	vld.idx.msk [tilespmem:v39+s3+$0x0], $0xffff;
	v61 =	vadd.s32 s31, v17;
	v62 =	vor.u32 v16, v60;
	v41 =	vadd.f32 v43, v41  }
0x193: {  	v49 =	vadd.s32 s31, v18;
	v48 =	vand.u32 $0x7FF8, v61;
	v46 =	vld.idx.msk [tilespmem:v46+s3+$0x0], $0xffff  }
0x194: {  	v54 =	vand.u32 $0x7FF8, v49;
	v49 =	vld.idx.msk [tilespmem:v29+s22+$0x0], $0xffff;
	v52 =	vor.u32 v2, v48;
	v41 =	vadd.f32 v44, v41  }
0x195: {  	v63 =	vadd.s32 s29, v23;
	s1 =	sadd.s32 $0x10, s1;
	v42 =	vld.idx.msk [tilespmem:v59+s3+$0x0], $0xffff  }
0x196: {  	v55 =	vadd.s32 s31, v19;
	v51 =	vld [tilespmem:s1+$0x0];
	v47 =	vor.u32 v4, v54;
	v41 =	vadd.f32 v45, v41  }
0x197: {  	v32 =	vadd.f32 v32, v35;
	v58 =	vadd.s32 s31, v20;
	s0 =	sadd.s32 $0x10, s0;
	v57 =	vand.u32 $0x7FF8, v55;
	v43 =	vld.idx.msk [tilespmem:v62+s3+$0x0], $0xffff  }
0x198: {  	v53 =	vand.u32 $0x7FF8, v63;
	v63 =	vld [tilespmem:s0+$0x0];
	v35 =	vor.u32 v6, v57;
	v41 =	vadd.f32 v46, v41  }
0x199: {  	s5 =	sadd.s32 $0x10, s5;
	v32 =	vadd.f32 v34, v32;
	v56 =	vor.u32 v14, v53;
	v44 =	vld.idx.msk [tilespmem:v52+s3+$0x0], $0xffff;
	v45 =	vand.u32 $0x7FF8, v58  }
0x19a: {  	v50 =	vadd.s32 s31, v21;
	v48 =	vld [tilespmem:s5+$0x0];
	v45 =	vor.u32 v8, v45;
	v41 =	vadd.f32 v42, v41  }
0x19b: {  	v61 =	vand.u32 $0x7FF8, v50;
	v31 =	vadd.f32 v31, v32;
	v62 =	vld.idx.msk [tilespmem:v47+s3+$0x0], $0xffff  }
0x19c: {  	v33 =	vld.idx.msk [tilespmem:v33+s21+$0x0], $0xffff;
	v59 =	vadd.s32 s31, v22;
	v42 =	vor.u32 v10, v61;
	v41 =	vadd.f32 v43, v41  }
0x19d: {  	v31 =	vadd.f32 v38, v31;
	v35 =	vld.idx.msk [tilespmem:v35+s3+$0x0], $0xffff;
	v46 =	vand.u32 $0x7FF8, v59  }
0x19e: {  	v50 =	vadd.s32 s31, v23;
	v34 =	vld.idx.msk [tilespmem:v56+s3+$0x0], $0xffff;
	v60 =	vor.u32 v12, v46;
	v41 =	vadd.f32 v44, v41  }
0x19f: {  	v31 =	vadd.f32 v36, v31;
	v53 =	vld.idx.msk [tilespmem:v45+s3+$0x0], $0xffff;
	v43 =	vand.u32 $0x7FF8, v50  }
0x1a0: {  	v55 =	vld.idx.msk [tilespmem:v51+s21+$0x0], $0xffff;
	v52 =	vadd.s32 s31, v24;
	v43 =	vor.u32 v14, v43;
	v41 =	vadd.f32 v62, v41  }
0x1a1: {  	v31 =	vadd.f32 v39, v31;
	v44 =	vand.u32 $0x7FF8, v52;
	v42 =	vld.idx.msk [tilespmem:v42+s3+$0x0], $0xffff  }
0x1a2: {  	v56 =	vld.idx.msk [tilespmem:v48+s22+$0x0], $0xffff;
	v54 =	vor.u32 v16, v44;
	v35 =	vadd.f32 v35, v41  }
0x1a3: {  	v31 =	vadd.f32 v37, v31;
	v32 =	vld.idx.msk [tilespmem:v60+s3+$0x0], $0xffff  }
0x1a4: {  	v57 =	vld.idx.msk [tilespmem:v29+s20+$0x0], $0xffff;
	v35 =	vadd.f32 v53, v35  }
0x1a5: {  	v27 =	vmul.f32 v27, v49;
	v33 =	vadd.f32 v33, v26;
	v31 =	vadd.f32 v40, v31;
	v58 =	vld.idx.msk [tilespmem:v43+s3+$0x0], $0xffff  }
0x1a6: {  	v59 =	vld.idx.msk [tilespmem:v48+s20+$0x0], $0xffff;
	v35 =	vadd.f32 v42, v35  }
0x1a7: {  	v27 =	vadd.f32 v27, v33;
	v31 =	vadd.f32 v34, v31;
	v39 =	vld.idx.msk [tilespmem:v54+s3+$0x0], $0xffff  }
0x1a8: {  	s30 =	sadd.s32 $0x10, s30;
	v26 =	vadd.f32 v55, v26;
	v60 =	vmul.f32 v63, v56;
	v32 =	vadd.f32 v32, v35  }
0x1a9: {  	v27 =	vadd.f32 v27, v57;
	v28 =	vadd.f32 v28, v31;
	v61 =	vld [tilespmem:s30+$0x0]  }
0x1aa: {  	s0 =	sadd.s32 $0x10, s30;
	v26 =	vadd.f32 v60, v26;
	v62 =	vadd.f32 v58, v32  }
0x1ab: {  	v27 =	vadd.f32 v27, v28;
	v63 =	vld [tilespmem:s0+$0x0]  }
0x1ac: {  	v26 =	vadd.f32 v26, v59;
	v29 =	vadd.f32 v39, v62;
	_ =	sdelay $0x1  }
0x1ad: {  	v30 =	vmul.f32 v30, v30;
	v27 =	vsub.f32 v27, v61;
	v26 =	vadd.f32 v26, v29;
	_ =	sdelay $0x1  }
0x1ae: {  	v25 =	vadd.f32 v30, v25;
	v27 =	vmul.f32 v27, v27;
	v26 =	vsub.f32 v26, v63;
	_ =	sdelay $0x1  }
0x1af: {  	v25 =	vadd.f32 v27, v25;
	v26 =	vmul.f32 v26, v26;
	_ =	sdelay $0x1  }
0x1b0: {  	s28 =	sadd.s32 $0x1, s28;
	v25 =	vadd.f32 v26, v25  }
0x1b1: {  	p0 =	sne.s32 s28, s15  }
.Ltmp6:
0x1b2: {  	s31 =	simm.s32 $0xBBC8;
	[tilespmem:$0xBBC8] =	vst v25;
	(pc) =	sbr.rel @p0 .LBB2_1-.Ltmp6, $4  }
0x1b3: {  	[hbm4b:s14+s6] =	stream.linear.scatter [tilespmem:s31], [sflag:$0x7], $0x10, $0x38;
	[tilespmem:$0xBBD8] =	vst v63  }
0x1b4: {  	_ =	swait.ge [sflag:s26], $0x10  }
0x1b5: {  	[sflag:s26] =	ssyncset.done $0x0  }
0x1b6: {  	[sflag:s26] =	ssyncadd.s32 $0xFFFFFFF0  }
0x1b7: {  	_ =	sfence.sel $0x180000  }
0x1b8: {  	[bflag:$0x0] =	sbarrier.arrive $0xFFFF  }
0x1b9: {  	_ =	strace $0x90000047  }
0x1ba: {  	s0 =	stileid.u32;
	[bflag:$0x2] =	sbarrier.arrive $0xFFFF  }
0x1bb: {  	p0 =	sne.s32 s0, $0x0;
	s0 =	rddreg [dreg:$0xa]  }
0x1bc: {  	s0 =	sadd.s32 @!p0 $0x100000, s0  }
0x1bd: {  	[sflag:s0] =	ssyncadd.tile.s32 @!p0 $0x1;
	_ =	shalt  }
.Lfunc_end2:
_tile_overlayer_lowered:
.L_overlay_start_2:
0x1be: {  	(tag) =	ssettag $0x2  }
0x1bf: {  	s0 =	rddreg [dreg:$0x0];
	s2 =	stileid.u32  }
0x1c0: {  	s1 =	rddreg [dreg:$0x1];
	p0 =	sne.s32 s2, $0x0  }
0x1c1: {  	s3 =	rddreg [dreg:$0x2];
	[bflag:$0x3] =	sbarrier.arrive $0xFFFF;
	s2 =	simm.s32 @!p0 $0x1C07  }
0x1c2: {  	[timem:s3], [sflag:s2] =	dma.local @!p0 [hbm:s0], s1  }
0x1c3: {  	s0 =	simm.s32 @!p0 $0x7  }
0x1c4: {  	_ =	swait.ge @!p0 [sflag:s0], s1  }
0x1c5: {  	s1 =	ssub.s32 @!p0 $0x0, s1;
	[sflag:s0] =	ssyncset.done @!p0 $0x0  }
0x1c6: {  	[sflag:s0] =	ssyncadd.s32 @!p0 s1  }
0x1c7: {  	[bflag:$0x3] =	sbarrier.arrive $0xFFFF  }
0x1c8: {  	_ =	shalt  }

</sc_bundles>
